<compile_context>
chip_gen: v7x
topology: tpu7x:2x2x1
jax: 0.10.2.dev20260603
libtpu: 0.0.44.dev20260713+nightly
codegen_flags: <defaults>
</compile_context>

<pallas_src>
import functools
import math

import jax
import jax.numpy as jnp
from jax import lax
from jax.experimental import pallas as pl
from jax.experimental.pallas import tpu as pltpu
from jax.experimental.pallas import tpu_sc as plsc

N_NODE = 50000
N_EDGE = 300000
HID = 128
OUT = 64

NC = 2
NS = 16
NW = NC * NS

NIDX = 128
EPT = 9728
EPAD = NW * EPT
EPC = EPAD // NS
HP = 16

NCK = 4
CSPAN = 12544
CROW = 12672
RPT = CROW // NS
RCH = 6
RTAIL = RPT - RCH * NIDX


@functools.cache
def _mesh():
  return plsc.VectorSubcoreMesh(
      core_axis_name="c", subcore_axis_name="s", num_cores=NC, num_subcores=NS)



@functools.partial(jax.jit, static_argnames=("width",))
def _sc_gather(table, idx, width):
  ebb = 16384 // width
  nblk = EPT // ebb

  @functools.partial(
      pl.kernel,
      out_type=jax.ShapeDtypeStruct((EPAD, width), jnp.float32),
      mesh=_mesh(),
      scratch_types=[
          pltpu.VMEM((EPT,), jnp.int32),
          [pltpu.VMEM((ebb, width), jnp.float32) for _ in range(4)],
          [pltpu.SemaphoreType.DMA for _ in range(4)],
          [pltpu.SemaphoreType.DMA for _ in range(4)],
      ],
  )
  def k(table_hbm, idx_hbm, out_hbm, idx_all, rows, sem_g, sem_w):
    wid = lax.axis_index("s") * NC + lax.axis_index("c")
    base = wid * EPT
    pltpu.sync_copy(idx_hbm.at[pl.ds(pl.multiple_of(base, 8), EPT)], idx_all)

    def fire(blk, bi):
      pltpu.async_copy(table_hbm.at[idx_all.at[pl.ds(blk * ebb, ebb)]],
                       rows[bi], sem_g[bi])

    def drain(blk, bi):
      pltpu.make_async_copy(table_hbm.at[idx_all.at[pl.ds(blk * ebb, ebb)]],
                            rows[bi], sem_g[bi]).wait()

    fire(0, 0)
    fire(1, 1)

    def wb(blk, bi):
      off = pl.multiple_of(base + blk * ebb, ebb)
      return pltpu.make_async_copy(rows[bi], out_hbm.at[pl.ds(off, ebb)],
                                   sem_w[bi])

    def body(j, _):
      blk0 = j * 4
      for bi in range(4):
        blk = blk0 + bi
        nbi = (bi + 2) % 4

        @pl.when(blk >= 2)
        def _():
          wb(blk - 2, nbi).wait()

        @pl.when(blk + 2 < nblk)
        def _():
          fire(blk + 2, nbi)

        drain(blk, bi)
        off = pl.multiple_of(base + blk * ebb, ebb)
        pltpu.async_copy(rows[bi], out_hbm.at[pl.ds(off, ebb)], sem_w[bi])
      return 0

    lax.fori_loop(0, nblk // 4, body, 0)
    wb(nblk - 2, 2).wait()
    wb(nblk - 1, 3).wait()

  return k(table, idx)


@jax.jit
def _sc_scatter128(vals, di_s, zeros):
  npc = NCK // NC
  nblk = EPC // NIDX

  @functools.partial(
      pl.kernel,
      out_type=jax.ShapeDtypeStruct((NCK, CROW, 128), jnp.float32),
      mesh=_mesh(),
      scratch_types=[
          pltpu.VMEM_SHARED((CROW, 128), jnp.float32),
          pltpu.VMEM((1, NIDX), jnp.int32),
          pltpu.VMEM((NIDX, 128), jnp.float32),
          pltpu.SemaphoreType.DMA,
      ],
  )
  def k(c_hbm, di_hbm, z_hbm, out_hbm, obuf, idx_v, val_v, sem):
    cid = lax.axis_index("c")
    sid = lax.axis_index("s")
    for ch in range(npc):
      ck = cid * npc + ch
      base = ck * CSPAN
      pltpu.sync_copy(z_hbm, val_v)

      def zbody(c, _):
        pltpu.sync_copy(
            val_v, obuf.at[pl.ds(pl.multiple_of(sid * RPT + c * NIDX, 8),
                                 NIDX)])
        return 0

      lax.fori_loop(0, RCH, zbody, 0)
      pltpu.sync_copy(
          val_v.at[pl.ds(0, RTAIL)],
          obuf.at[pl.ds(pl.multiple_of(sid * RPT + RCH * NIDX, 8), RTAIL)])
      plsc.subcore_barrier()

      def body(j, _):
        off = pl.multiple_of(sid * EPC + j * NIDX, NIDX)
        pltpu.sync_copy(di_hbm.at[off // NIDX], idx_v)

        def remap(i, _):
          v = idx_v[0, pl.ds(i * 16, 16)] - base
          ok = (v >= 0) & (v < CSPAN)
          idx_v[0, pl.ds(i * 16, 16)] = jnp.where(ok, v, CSPAN)
          return 0

        lax.fori_loop(0, NIDX // 16, remap, 0)
        pltpu.sync_copy(c_hbm.at[pl.ds(off, NIDX)], val_v)
        pltpu.async_copy(val_v, obuf.at[idx_v.at[0]], sem, add=True).wait()
        return 0

      lax.fori_loop(0, nblk, body, 0)
      plsc.subcore_barrier()

      def dbody(c, _):
        roff = pl.multiple_of(sid * RPT + c * NIDX, 8)
        pltpu.sync_copy(obuf.at[pl.ds(roff, NIDX)], val_v)
        pltpu.sync_copy(val_v, out_hbm.at[ck, pl.ds(roff, NIDX)])
        return 0

      lax.fori_loop(0, RCH, dbody, 0)
      rtoff = pl.multiple_of(sid * RPT + RCH * NIDX, 8)
      pltpu.sync_copy(obuf.at[pl.ds(rtoff, RTAIL)], val_v.at[pl.ds(0, RTAIL)])
      pltpu.sync_copy(val_v.at[pl.ds(0, RTAIL)],
                      out_hbm.at[ck, pl.ds(rtoff, RTAIL)])
      plsc.subcore_barrier()

  return k(vals, di_s.reshape(EPAD // NIDX, 1, NIDX), zeros)


def _assemble(chunks, width):
  return jnp.concatenate(
      [chunks[q, :CSPAN] for q in range(NCK)], axis=0)[:N_NODE, :width]



def _tc_dense(x, w, b, bn, act_out=None):
  n, kdim = x.shape
  m = w.shape[1]

  def body(x_ref, w_ref, b_ref, o_ref):
    y = jnp.dot(x_ref[...], w_ref[...],
                preferred_element_type=jnp.float32) + b_ref[...]
    if act_out == "relu":
      y = jnp.maximum(y, 0.0)
    o_ref[...] = y

  return pl.pallas_call(
      body,
      grid=(n // bn,),
      in_specs=[
          pl.BlockSpec((bn, kdim), lambda i: (i, 0)),
          pl.BlockSpec((kdim, m), lambda i: (0, 0)),
          pl.BlockSpec((1, m), lambda i: (0, 0)),
      ],
      out_specs=pl.BlockSpec((bn, m), lambda i: (i, 0)),
      out_shape=jax.ShapeDtypeStruct((n, m), jnp.float32),
  )(x, w, b.reshape(1, m))


def _tc_proj(x, w, b, bn, width):
  n, kdim = x.shape
  m = w.shape[1]

  def body(x_ref, w_ref, b_ref, q_ref, kv_ref):
    y = jnp.dot(x_ref[...], w_ref[...],
                preferred_element_type=jnp.float32) + b_ref[...]
    q_ref[...] = y[:, :128]
    kv_ref[...] = y[:, 128:]

  return pl.pallas_call(
      body,
      grid=(n // bn,),
      in_specs=[
          pl.BlockSpec((bn, kdim), lambda i: (i, 0)),
          pl.BlockSpec((kdim, m), lambda i: (0, 0)),
          pl.BlockSpec((1, m), lambda i: (0, 0)),
      ],
      out_specs=[
          pl.BlockSpec((bn, 128), lambda i: (i, 0)),
          pl.BlockSpec((bn, 2 * width), lambda i: (i, 0)),
      ],
      out_shape=[
          jax.ShapeDtypeStruct((n, 128), jnp.float32),
          jax.ShapeDtypeStruct((n, 2 * width), jnp.float32),
      ],
  )(x, w, b.reshape(1, m))


def _tc_logits(qg, kvg, smat, width):
  e = qg.shape[0]
  kw2 = kvg.shape[1]
  bn = 2048

  def body(q_ref, kv_ref, s_ref, o_ref):
    t = q_ref[:, :width] * kv_ref[:, :width]
    a = jnp.dot(t, s_ref[...], preferred_element_type=jnp.float32)
    o_ref[...] = jnp.exp(a)

  return pl.pallas_call(
      body,
      grid=(e // bn,),
      in_specs=[
          pl.BlockSpec((bn, 128), lambda i: (i, 0)),
          pl.BlockSpec((bn, kw2), lambda i: (i, 0)),
          pl.BlockSpec((width, 128), lambda i: (0, 0)),
      ],
      out_specs=pl.BlockSpec((bn, 128), lambda i: (i, 0)),
      out_shape=jax.ShapeDtypeStruct((e, 128), jnp.float32),
  )(qg, kvg, smat)


def _tc_contrib(ea, kvg, tmat, pmat, vmask):
  e = ea.shape[0]
  kw2 = kvg.shape[1]
  voff = kw2 - 128
  bn = 2048

  def body(e_ref, kv_ref, t_ref, p_ref, m_ref, o_ref):
    wgt = e_ref[:, :HP]
    msg = jnp.dot(wgt, t_ref[...],
                  preferred_element_type=jnp.float32) * (
                      kv_ref[:, voff:voff + 128] * m_ref[...])
    o_ref[...] = msg + jnp.dot(wgt, p_ref[...],
                               preferred_element_type=jnp.float32)

  return pl.pallas_call(
      body,
      grid=(e // bn,),
      in_specs=[
          pl.BlockSpec((bn, 128), lambda i: (i, 0)),
          pl.BlockSpec((bn, kw2), lambda i: (i, 0)),
          pl.BlockSpec((HP, 128), lambda i: (0, 0)),
          pl.BlockSpec((HP, 128), lambda i: (0, 0)),
          pl.BlockSpec((1, 128), lambda i: (0, 0)),
      ],
      out_specs=pl.BlockSpec((bn, 128), lambda i: (i, 0)),
      out_shape=jax.ShapeDtypeStruct((e, 128), jnp.float32),
  )(ea, kvg, tmat, pmat, vmask)


def _tc_out(o_raw, s, tmat, w, b, bn, res=None, alpha=None):
  n, width = o_raw.shape
  m = w.shape[1]
  ins = [o_raw, s, tmat, w, b.reshape(1, m)]
  specs = [
      pl.BlockSpec((bn, width), lambda i: (i, 0)),
      pl.BlockSpec((bn, HP), lambda i: (i, 0)),
      pl.BlockSpec((HP, width), lambda i: (0, 0)),
      pl.BlockSpec((width, m), lambda i: (0, 0)),
      pl.BlockSpec((1, m), lambda i: (0, 0)),
  ]
  if res is not None:
    ins += [res, alpha.reshape(1, 1)]
    specs += [pl.BlockSpec((bn, m), lambda i: (i, 0)),
              pl.BlockSpec((1, 1), lambda i: (0, 0))]

  def body(*refs):
    o_ref, s_ref, t_ref, w_ref, b_ref = refs[:5]
    out_ref = refs[-1]
    rs = 1.0 / (s_ref[...] + 1e-16)
    oo = o_ref[...] * jnp.dot(rs, t_ref[...],
                              preferred_element_type=jnp.float32)
    xx = 0.5 * oo * (1.0 + lax.erf(oo * (1.0 / math.sqrt(2.0))))
    y = jnp.dot(xx, w_ref[...], preferred_element_type=jnp.float32) + b_ref[...]
    if res is not None:
      y = y + refs[5][...] * refs[6][0, 0]
    out_ref[...] = y

  return pl.pallas_call(
      body,
      grid=(n // bn,),
      in_specs=specs,
      out_specs=pl.BlockSpec((bn, m), lambda i: (i, 0)),
      out_shape=jax.ShapeDtypeStruct((n, m), jnp.float32),
  )(*ins)



def _fold_rel(wmat, bvec, rel, heads, headscale=None):
  kdim = wmat.shape[0]
  d = rel.shape[1]
  wf = jnp.einsum("khd,hdf->khf", wmat.reshape(kdim, heads, d), rel)
  bf = jnp.einsum("hd,hdf->hf", bvec.reshape(heads, d), rel)
  if headscale is not None:
    wf = wf * headscale[None, :, None]
    bf = bf * headscale[:, None]
  return wf.reshape(kdim, heads * d), bf.reshape(heads * d)


def _pad_idx(ix, fill):
  return jnp.concatenate(
      [ix.astype(jnp.int32),
       jnp.full((EPAD - N_EDGE,), fill, jnp.int32)])


def _head_mats(heads, width):
  d = width // heads
  hcol = jnp.arange(HP)
  col = jnp.arange(width) // d
  smat = (col[:, None] == jnp.arange(128)[None, :]).astype(jnp.float32)
  lane_w = jnp.arange(width) // d
  emat = (hcol[:, None] == lane_w[None, :]).astype(jnp.float32)
  if width == 128:
    tmat = emat
    pmat = jnp.zeros((HP, 128), jnp.float32)
    vmask = jnp.ones((1, 128), jnp.float32)
  else:
    lane = jnp.arange(128)
    tmat = (64 + hcol[:, None] * d <= lane[None, :]).astype(jnp.float32) * (
        lane[None, :] < 64 + (hcol[:, None] + 1) * d).astype(jnp.float32)
    pmat = (hcol[:, None] == lane[None, :]).astype(jnp.float32)
    vmask = (lane >= 64).astype(jnp.float32).reshape(1, 128)
  return smat, tmat, pmat, vmask, emat


def _conv(x, p, heads, out_d, eidx, zeros):
  scale = 1.0 / math.sqrt(out_d // heads)
  rel_of = {"user": "u2i", "item": "i2u"}
  smat, tmat, pmat, vmask, emat = _head_mats(heads, out_d)
  proj = {}
  for nt in ("user", "item"):
    et = rel_of[nt]
    wk, bk = _fold_rel(p["Wk"][nt], p["bk"][nt], p["a_rel"][et], heads,
                       headscale=p["p_rel"][et] * scale)
    wv, bv = _fold_rel(p["Wv"][nt], p["bv"][nt], p["m_rel"][et], heads)
    qpad = 128 - out_d
    wq = p["Wq"][nt]
    bq = p["bq"][nt]
    if qpad:
      wq = jnp.concatenate([wq, jnp.zeros((wq.shape[0], qpad), jnp.float32)], 1)
      bq = jnp.concatenate([bq, jnp.zeros((qpad,), jnp.float32)])
    wcat = jnp.concatenate([wq, wk, wv], axis=1)
    bcat = jnp.concatenate([bq, bk, bv])
    proj[nt] = _tc_proj(x[nt], wcat, bcat, 2000, out_d)

  out = {}
  for dst, src, ek in (("item", "user", "u2i"), ("user", "item", "i2u")):
    si, di_g, di_s = eidx[ek]
    kvg = _sc_gather(proj[src][1], si, 2 * out_d)
    qg = _sc_gather(proj[dst][0], di_g, 128)
    ea = _tc_logits(qg, kvg, smat, out_d)
    contrib = _tc_contrib(ea, kvg, tmat, pmat, vmask)
    och = _sc_scatter128(contrib, di_s, zeros)
    if out_d == 128:
      sch = _sc_scatter128(ea, di_s, zeros)
      o_raw = _assemble(och, 128)
      s = _assemble(sch, HP)
    else:
      packed = _assemble(och, 128)
      o_raw = packed[:, 64:64 + out_d]
      s = packed[:, :HP]
    sk = jax.nn.sigmoid(p["skip"][dst])
    if out_d == x[dst].shape[-1]:
      out[dst] = _tc_out(o_raw, s, emat, sk * p["Wa"][dst],
                         sk * p["ba"][dst], 2000, res=x[dst],
                         alpha=(1.0 - sk).reshape(1,))
    else:
      out[dst] = _tc_out(o_raw, s, emat, p["Wa"][dst],
                         p["ba"][dst], 2000)
  return out


def kernel(x_user, x_item, edge_u2i, edge_i2u, params):
  p = params
  zeros = jnp.zeros((NIDX, 128), jnp.float32)
  eidx = {}
  for ek, ei in (("u2i", edge_u2i), ("i2u", edge_i2u)):
    si = _pad_idx(ei[0], 0)
    di_g = _pad_idx(ei[1], 0)
    di_s = _pad_idx(ei[1], N_NODE)
    eidx[ek] = (si, di_g, di_s)

  x = {
      "user": _tc_dense(x_user, p["lin"]["user"]["W"], p["lin"]["user"]["b"],
                        2000, act_out="relu"),
      "item": _tc_dense(x_item, p["lin"]["item"]["W"], p["lin"]["item"]["b"],
                        2000, act_out="relu"),
  }
  x = _conv(x, p["c1"], 8, HID, eidx, zeros)
  x = _conv(x, p["c2"], 4, OUT, eidx, zeros)
  return (x["user"], x["item"])

# --- scband reference (transcript-rebuilt; emitter-appended) ---
"""Pipeline reference for scband-hgtmodel-10660108829394 (READ-ONLY COPY).

The authoritative reference and input builder live on the scoring server;
editing this copy changes nothing except your own understanding.
"""

import jax, jax.numpy as jnp
import numpy as np
import math

N_USER = 50000
N_ITEM = 50000
N_EDGE = 300000
D_IN = 128
HID = 128
OUT = 64
NTS = ['user', 'item']
ETS = ['u2i', 'i2u']

def _mk(k, shape, scale=0.05):
    return (scale * jax.random.normal(k, shape)).astype(jnp.float32)

def _conv_params(keys, in_d, out_d, heads):
    D = out_d // heads
    p = {}
    for nm, bn in [('Wk', 'bk'), ('Wq', 'bq'), ('Wv', 'bv')]:
        p[nm] = {nt: _mk(next(keys), (in_d, out_d)) for nt in NTS}
        p[bn] = {nt: jnp.zeros((out_d,), jnp.float32) for nt in NTS}
    p['Wa'] = {nt: _mk(next(keys), (out_d, out_d)) for nt in NTS}
    p['ba'] = {nt: jnp.zeros((out_d,), jnp.float32) for nt in NTS}
    p['skip'] = {nt: jnp.array(1.0, jnp.float32) for nt in NTS}
    p['a_rel'] = {et: _mk(next(keys), (heads, D, D), 0.1) for et in ETS}
    p['m_rel'] = {et: _mk(next(keys), (heads, D, D), 0.1) for et in ETS}
    p['p_rel'] = {et: jnp.ones((heads,), jnp.float32) for et in ETS}
    return p

def setup_inputs(seed: int = 0):
    key = jax.random.key(seed)
    keys = iter(list(jax.random.split(key, 64)))
    x_user = jax.random.normal(next(keys), (N_USER, D_IN), dtype=jnp.float32)
    x_item = jax.random.normal(next(keys), (N_ITEM, D_IN), dtype=jnp.float32)
    edge_u2i = jax.random.randint(next(keys), (2, N_EDGE), 0, N_USER)
    edge_i2u = jax.random.randint(next(keys), (2, N_EDGE), 0, N_ITEM)
    params = {
        'lin': {nt: {'W': _mk(next(keys), (D_IN, HID)), 'b': jnp.zeros((HID,), jnp.float32)} for nt in NTS},
        'c1': _conv_params(keys, HID, HID, 8),
        'c2': _conv_params(keys, HID, OUT, 4),
    }
    return {'x_user': x_user, 'x_item': x_item, 'edge_u2i': edge_u2i, 'edge_i2u': edge_i2u, 'params': params}

def _hgt_conv(x, edges, p, heads, out_d):
    D = out_d // heads
    scale = 1.0 / math.sqrt(D)
    k = {nt: (x[nt] @ p['Wk'][nt] + p['bk'][nt]).reshape(-1, heads, D) for nt in x}
    q = {nt: (x[nt] @ p['Wq'][nt] + p['bq'][nt]).reshape(-1, heads, D) for nt in x}
    v = {nt: (x[nt] @ p['Wv'][nt] + p['bv'][nt]).reshape(-1, heads, D) for nt in x}
    groups = {}
    for src, dst, ei, et in edges:
        groups.setdefault(dst, []).append((src, ei, et))
    out = {}
    for dst_nt, grp in groups.items():
        N = x[dst_nt].shape[0]
        a_l, v_l, d_l = [], [], []
        for src, ei, et in grp:
            si = ei[0]
            di = ei[1]
            k_e = jnp.einsum('ehd,hdf->ehf', k[src][si], p['a_rel'][et])
            v_e = jnp.einsum('ehd,hdf->ehf', v[src][si], p['m_rel'][et])
            a = jnp.sum(q[dst_nt][di] * k_e, axis=-1) * p['p_rel'][et] * scale
            a_l.append(a)
            v_l.append(v_e)
            d_l.append(di)
        a = jnp.concatenate(a_l, 0)
        vv = jnp.concatenate(v_l, 0)
        dd = jnp.concatenate(d_l, 0)
        m = jax.ops.segment_max(a, dd, num_segments=N)
        ea = jnp.exp(a - m[dd])
        s = jax.ops.segment_sum(ea, dd, num_segments=N)
        al = ea / (s[dd] + 1e-16)
        o = jax.ops.segment_sum(al[:, :, None] * vv, dd, num_segments=N)
        o = jax.nn.gelu(o.reshape(N, heads * D), approximate=False)
        o = o @ p['Wa'][dst_nt] + p['ba'][dst_nt]
        if o.shape[-1] == x[dst_nt].shape[-1]:
            sk = jax.nn.sigmoid(p['skip'][dst_nt])
            o = sk * o + (1.0 - sk) * x[dst_nt]
        out[dst_nt] = o
    return out

def reference(x_user, x_item, edge_u2i, edge_i2u, params):
    x = {
        'user': jax.nn.relu(x_user @ params['lin']['user']['W'] + params['lin']['user']['b']),
        'item': jax.nn.relu(x_item @ params['lin']['item']['W'] + params['lin']['item']['b']),
    }
    edges = [('user', 'item', edge_u2i, 'u2i'), ('item', 'user', edge_i2u, 'i2u')]
    x = _hgt_conv(x, edges, params['c1'], 8, HID)
    # dropout is identity in eval mode
    x = _hgt_conv(x, edges, params['c2'], 4, OUT)
    return (x['user'], x['item'])

if __name__ == "__main__":
    import jax
    _d = setup_inputs()
    print(jax.jit(kernel)(*tuple(_d.values())))

</pallas_src>

<mosaic_0001>
#map = affine_map<(d0, d1) -> (0, 0)>
#map1 = affine_map<(d0, d1) -> (0)>
module attributes {stable_mosaic.version = 14 : i64} {
  func.func @k(%arg0: i32, %arg1: i32, %arg2: memref<50000x256xf32, #tpu.memory_space<hbm>>, %arg3: memref<311296xi32, #tpu.memory_space<hbm>>, %arg4: memref<311296x256xf32, #tpu.memory_space<hbm>>, %arg5: memref<9728xi32, #tpu.memory_space<vmem>>, %arg6: memref<64x256xf32, #tpu.memory_space<vmem>>, %arg7: memref<64x256xf32, #tpu.memory_space<vmem>>, %arg8: memref<64x256xf32, #tpu.memory_space<vmem>>, %arg9: memref<64x256xf32, #tpu.memory_space<vmem>>, %arg10: memref<!tpu.dma_semaphore, #tpu.memory_space<semaphore_mem>>, %arg11: memref<!tpu.dma_semaphore, #tpu.memory_space<semaphore_mem>>, %arg12: memref<!tpu.dma_semaphore, #tpu.memory_space<semaphore_mem>>, %arg13: memref<!tpu.dma_semaphore, #tpu.memory_space<semaphore_mem>>, %arg14: memref<!tpu.dma_semaphore, #tpu.memory_space<semaphore_mem>>, %arg15: memref<!tpu.dma_semaphore, #tpu.memory_space<semaphore_mem>>, %arg16: memref<!tpu.dma_semaphore, #tpu.memory_space<semaphore_mem>>, %arg17: memref<!tpu.dma_semaphore, #tpu.memory_space<semaphore_mem>>) attributes {dimension_semantics = [#tpu.dimension_semantics<core_parallel>, #tpu.dimension_semantics<subcore_parallel>], iteration_bounds = array<i64: 2, 16>, scalar_prefetch = 0 : i64, scratch_operands = 13 : i64, tpu.core_type = #tpu.core_type<sc_vector_subcore>, window_params = [{transform_indices = #map}, {transform_indices = #map1}, {transform_indices = #map}]} {
    %mul3A = arith.constant 2 : i32
    %mul3A_0 = arith.muli %arg1, %mul3A : i32
    %add3A = arith.addi %mul3A_0, %arg0 : i32
    %mul3A_1 = arith.constant 9728 : i32
    %mul3A_2 = arith.muli %add3A, %mul3A_1 : i32
    %multiple_of3A = tpu.assume_multiple %mul3A_2, 8 : i32
    "tpu.region"() ({
      %run_scoped3A = tpu.sem_alloc : memref<!tpu.dma_semaphore, #tpu.memory_space<semaphore_mem>>
      %dma_start3A_31 = tpu.memref_slice %arg3[%multiple_of3A] : memref<311296xi32, #tpu.memory_space<hbm>> -> memref<9728xi32, #tpu.memory_space<hbm>>
      %dma_start3A_32 = tpu.memref_slice %arg3[%multiple_of3A] : memref<311296xi32, #tpu.memory_space<hbm>> -> memref<9728xi32, #tpu.memory_space<hbm>>
      tpu.enqueue_dma source(%dma_start3A_32 : memref<9728xi32, #tpu.memory_space<hbm>>) target(%arg5 : memref<9728xi32, #tpu.memory_space<vmem>>) target_semaphore(%run_scoped3A : memref<!tpu.dma_semaphore, #tpu.memory_space<semaphore_mem>>)
      %dma_wait3A_33 = tpu.memref_slice %arg3[%multiple_of3A] : memref<311296xi32, #tpu.memory_space<hbm>> -> memref<9728xi32, #tpu.memory_space<hbm>>
      %dma_wait3A_34 = tpu.memref_slice %arg3[%multiple_of3A] : memref<311296xi32, #tpu.memory_space<hbm>> -> memref<9728xi32, #tpu.memory_space<hbm>>
      tpu.wait_dma2 semaphore(%run_scoped3A : memref<!tpu.dma_semaphore, #tpu.memory_space<semaphore_mem>>) src(%dma_wait3A_34 : memref<9728xi32, #tpu.memory_space<hbm>>) dst(%arg5 : memref<9728xi32, #tpu.memory_space<vmem>>)
      tpu.yield
    }) : () -> ()
    %dma_start3A = arith.constant 0 : i32
    %dma_start3A_3 = tpu.memref_slice %arg5[%dma_start3A] : memref<9728xi32, #tpu.memory_space<vmem>> -> memref<64xi32, #tpu.memory_space<vmem>>
    %dma_start3A_4 = arith.constant 0 : i32
    %dma_start3A_5 = arith.constant 0 : i32
    %dma_start3A_6 = tpu.memref_slice %arg2[%dma_start3A_4, %dma_start3A_5] : memref<50000x256xf32, #tpu.memory_space<hbm>> -> memref<50000x256xf32, #tpu.memory_space<hbm>>
    tpu.enqueue_indirect_dma source(%dma_start3A_6 : memref<50000x256xf32, #tpu.memory_space<hbm>>) target(%arg6 : memref<64x256xf32, #tpu.memory_space<vmem>>) offsets(%dma_start3A_3 : memref<64xi32, #tpu.memory_space<vmem>>) semaphore(%arg10 : memref<!tpu.dma_semaphore, #tpu.memory_space<semaphore_mem>>)
    %dma_start3A_7 = arith.constant 64 : i32
    %dma_start3A_8 = tpu.memref_slice %arg5[%dma_start3A_7] : memref<9728xi32, #tpu.memory_space<vmem>> -> memref<64xi32, #tpu.memory_space<vmem>>
    %dma_start3A_9 = arith.constant 0 : i32
    %dma_start3A_10 = arith.constant 0 : i32
    %dma_start3A_11 = tpu.memref_slice %arg2[%dma_start3A_9, %dma_start3A_10] : memref<50000x256xf32, #tpu.memory_space<hbm>> -> memref<50000x256xf32, #tpu.memory_space<hbm>>
    tpu.enqueue_indirect_dma source(%dma_start3A_11 : memref<50000x256xf32, #tpu.memory_space<hbm>>) target(%arg7 : memref<64x256xf32, #tpu.memory_space<vmem>>) offsets(%dma_start3A_8 : memref<64xi32, #tpu.memory_space<vmem>>) semaphore(%arg11 : memref<!tpu.dma_semaphore, #tpu.memory_space<semaphore_mem>>)
    %scan3A = arith.constant 0 : i32
    %scan3A_12 = arith.constant 0 : i32
    %scan3A_13 = arith.constant 38 : i32
    %scan3A_14 = arith.addi %scan3A_12, %scan3A_13 : i32
    %scan3A_15 = arith.constant 1 : i32
    %scan3A_16 = scf.for %scan3A_31 = %scan3A_12 to %scan3A_14 step %scan3A_15 iter_args(%scan3A_32 = %scan3A) -> (i32)  : i32 {
      %mul3A_33 = arith.constant 4 : i32
      %mul3A_34 = arith.muli %scan3A_31, %mul3A_33 : i32
      %add3A_35 = arith.constant 0 : i32
      %add3A_36 = arith.addi %mul3A_34, %add3A_35 : i32
      %ge3A = arith.constant 2 : i32
      %ge3A_37 = arith.cmpi sge, %add3A_36, %ge3A : i32
      %convert_element_type3A = arith.extui %ge3A_37 : i1 to i32
      %cond3A = arith.constant 0 : i32
      %cond3A_38 = arith.cmpi ne, %convert_element_type3A, %cond3A : i32
      scf.if %cond3A_38 {
        %sub3A = arith.constant 2 : i32
        %sub3A_144 = arith.subi %add3A_36, %sub3A : i32
        %mul3A_145 = arith.constant 64 : i32
        %mul3A_146 = arith.muli %sub3A_144, %mul3A_145 : i32
        %add3A_147 = arith.addi %mul3A_2, %mul3A_146 : i32
        %multiple_of3A_148 = tpu.assume_multiple %add3A_147, 64 : i32
        %dma_wait3A_149 = arith.constant 0 : i32
        %dma_wait3A_150 = tpu.memref_slice %arg4[%multiple_of3A_148, %dma_wait3A_149] : memref<311296x256xf32, #tpu.memory_space<hbm>> -> memref<64x256xf32, #tpu.memory_space<hbm>>
        %dma_wait3A_151 = arith.constant 0 : i32
        %dma_wait3A_152 = tpu.memref_slice %arg4[%multiple_of3A_148, %dma_wait3A_151] : memref<311296x256xf32, #tpu.memory_space<hbm>> -> memref<64x256xf32, #tpu.memory_space<hbm>>
        tpu.wait_dma2 semaphore(%arg16 : memref<!tpu.dma_semaphore, #tpu.memory_space<semaphore_mem>>) src(%arg8 : memref<64x256xf32, #tpu.memory_space<vmem>>) dst(%dma_wait3A_152 : memref<64x256xf32, #tpu.memory_space<hbm>>)
      } else {
      }
      %add3A_39 = arith.constant 2 : i32
      %add3A_40 = arith.addi %add3A_36, %add3A_39 : i32
      %lt3A = arith.constant 152 : i32
      %lt3A_41 = arith.cmpi slt, %add3A_40, %lt3A : i32
      %convert_element_type3A_42 = arith.extui %lt3A_41 : i1 to i32
      %cond3A_43 = arith.constant 0 : i32
      %cond3A_44 = arith.cmpi ne, %convert_element_type3A_42, %cond3A_43 : i32
      scf.if %cond3A_44 {
        %add3A_144 = arith.constant 2 : i32
        %add3A_145 = arith.addi %add3A_36, %add3A_144 : i32
        %mul3A_146 = arith.constant 64 : i32
        %mul3A_147 = arith.muli %add3A_145, %mul3A_146 : i32
        %dma_start3A_148 = tpu.memref_slice %arg5[%mul3A_147] : memref<9728xi32, #tpu.memory_space<vmem>> -> memref<64xi32, #tpu.memory_space<vmem>>
        %dma_start3A_149 = arith.constant 0 : i32
        %dma_start3A_150 = arith.constant 0 : i32
        %dma_start3A_151 = tpu.memref_slice %arg2[%dma_start3A_149, %dma_start3A_150] : memref<50000x256xf32, #tpu.memory_space<hbm>> -> memref<50000x256xf32, #tpu.memory_space<hbm>>
        tpu.enqueue_indirect_dma source(%dma_start3A_151 : memref<50000x256xf32, #tpu.memory_space<hbm>>) target(%arg8 : memref<64x256xf32, #tpu.memory_space<vmem>>) offsets(%dma_start3A_148 : memref<64xi32, #tpu.memory_space<vmem>>) semaphore(%arg12 : memref<!tpu.dma_semaphore, #tpu.memory_space<semaphore_mem>>)
      } else {
      }
      %mul3A_45 = arith.constant 64 : i32
      %mul3A_46 = arith.muli %add3A_36, %mul3A_45 : i32
      %dma_wait3A_47 = tpu.memref_slice %arg5[%mul3A_46] : memref<9728xi32, #tpu.memory_space<vmem>> -> memref<64xi32, #tpu.memory_space<vmem>>
      %dma_wait3A_48 = arith.constant 0 : i32
      %dma_wait3A_49 = arith.constant 0 : i32
      %dma_wait3A_50 = tpu.memref_slice %arg2[%dma_wait3A_48, %dma_wait3A_49] : memref<50000x256xf32, #tpu.memory_space<hbm>> -> memref<50000x256xf32, #tpu.memory_space<hbm>>
      tpu.wait_indirect_dma semaphore(%arg10 : memref<!tpu.dma_semaphore, #tpu.memory_space<semaphore_mem>>) src(%dma_wait3A_50 : memref<50000x256xf32, #tpu.memory_space<hbm>>) dst(%arg6 : memref<64x256xf32, #tpu.memory_space<vmem>>)
      %mul3A_51 = arith.constant 64 : i32
      %mul3A_52 = arith.muli %add3A_36, %mul3A_51 : i32
      %add3A_53 = arith.addi %mul3A_2, %mul3A_52 : i32
      %multiple_of3A_54 = tpu.assume_multiple %add3A_53, 64 : i32
      %dma_start3A_55 = arith.constant 0 : i32
      %dma_start3A_56 = tpu.memref_slice %arg4[%multiple_of3A_54, %dma_start3A_55] : memref<311296x256xf32, #tpu.memory_space<hbm>> -> memref<64x256xf32, #tpu.memory_space<hbm>>
      %dma_start3A_57 = arith.constant 0 : i32
      %dma_start3A_58 = tpu.memref_slice %arg4[%multiple_of3A_54, %dma_start3A_57] : memref<311296x256xf32, #tpu.memory_space<hbm>> -> memref<64x256xf32, #tpu.memory_space<hbm>>
      tpu.enqueue_dma source(%arg6 : memref<64x256xf32, #tpu.memory_space<vmem>>) target(%dma_start3A_58 : memref<64x256xf32, #tpu.memory_space<hbm>>) target_semaphore(%arg14 : memref<!tpu.dma_semaphore, #tpu.memory_space<semaphore_mem>>)
      %add3A_59 = arith.constant 1 : i32
      %add3A_60 = arith.addi %mul3A_34, %add3A_59 : i32
      %ge3A_61 = arith.constant 2 : i32
      %ge3A_62 = arith.cmpi sge, %add3A_60, %ge3A_61 : i32
      %convert_element_type3A_63 = arith.extui %ge3A_62 : i1 to i32
      %cond3A_64 = arith.constant 0 : i32
      %cond3A_65 = arith.cmpi ne, %convert_element_type3A_63, %cond3A_64 : i32
      scf.if %cond3A_65 {
        %sub3A = arith.constant 2 : i32
        %sub3A_144 = arith.subi %add3A_60, %sub3A : i32
        %mul3A_145 = arith.constant 64 : i32
        %mul3A_146 = arith.muli %sub3A_144, %mul3A_145 : i32
        %add3A_147 = arith.addi %mul3A_2, %mul3A_146 : i32
        %multiple_of3A_148 = tpu.assume_multiple %add3A_147, 64 : i32
        %dma_wait3A_149 = arith.constant 0 : i32
        %dma_wait3A_150 = tpu.memref_slice %arg4[%multiple_of3A_148, %dma_wait3A_149] : memref<311296x256xf32, #tpu.memory_space<hbm>> -> memref<64x256xf32, #tpu.memory_space<hbm>>
        %dma_wait3A_151 = arith.constant 0 : i32
        %dma_wait3A_152 = tpu.memref_slice %arg4[%multiple_of3A_148, %dma_wait3A_151] : memref<311296x256xf32, #tpu.memory_space<hbm>> -> memref<64x256xf32, #tpu.memory_space<hbm>>
        tpu.wait_dma2 semaphore(%arg17 : memref<!tpu.dma_semaphore, #tpu.memory_space<semaphore_mem>>) src(%arg9 : memref<64x256xf32, #tpu.memory_space<vmem>>) dst(%dma_wait3A_152 : memref<64x256xf32, #tpu.memory_space<hbm>>)
      } else {
      }
      %add3A_66 = arith.constant 2 : i32
      %add3A_67 = arith.addi %add3A_60, %add3A_66 : i32
      %lt3A_68 = arith.constant 152 : i32
      %lt3A_69 = arith.cmpi slt, %add3A_67, %lt3A_68 : i32
      %convert_element_type3A_70 = arith.extui %lt3A_69 : i1 to i32
      %cond3A_71 = arith.constant 0 : i32
      %cond3A_72 = arith.cmpi ne, %convert_element_type3A_70, %cond3A_71 : i32
      scf.if %cond3A_72 {
        %add3A_144 = arith.constant 2 : i32
        %add3A_145 = arith.addi %add3A_60, %add3A_144 : i32
        %mul3A_146 = arith.constant 64 : i32
        %mul3A_147 = arith.muli %add3A_145, %mul3A_146 : i32
        %dma_start3A_148 = tpu.memref_slice %arg5[%mul3A_147] : memref<9728xi32, #tpu.memory_space<vmem>> -> memref<64xi32, #tpu.memory_space<vmem>>
        %dma_start3A_149 = arith.constant 0 : i32
        %dma_start3A_150 = arith.constant 0 : i32
        %dma_start3A_151 = tpu.memref_slice %arg2[%dma_start3A_149, %dma_start3A_150] : memref<50000x256xf32, #tpu.memory_space<hbm>> -> memref<50000x256xf32, #tpu.memory_space<hbm>>
        tpu.enqueue_indirect_dma source(%dma_start3A_151 : memref<50000x256xf32, #tpu.memory_space<hbm>>) target(%arg9 : memref<64x256xf32, #tpu.memory_space<vmem>>) offsets(%dma_start3A_148 : memref<64xi32, #tpu.memory_space<vmem>>) semaphore(%arg13 : memref<!tpu.dma_semaphore, #tpu.memory_space<semaphore_mem>>)
      } else {
      }
      %mul3A_73 = arith.constant 64 : i32
      %mul3A_74 = arith.muli %add3A_60, %mul3A_73 : i32
      %dma_wait3A_75 = tpu.memref_slice %arg5[%mul3A_74] : memref<9728xi32, #tpu.memory_space<vmem>> -> memref<64xi32, #tpu.memory_space<vmem>>
      %dma_wait3A_76 = arith.constant 0 : i32
      %dma_wait3A_77 = arith.constant 0 : i32
      %dma_wait3A_78 = tpu.memref_slice %arg2[%dma_wait3A_76, %dma_wait3A_77] : memref<50000x256xf32, #tpu.memory_space<hbm>> -> memref<50000x256xf32, #tpu.memory_space<hbm>>
      tpu.wait_indirect_dma semaphore(%arg11 : memref<!tpu.dma_semaphore, #tpu.memory_space<semaphore_mem>>) src(%dma_wait3A_78 : memref<50000x256xf32, #tpu.memory_space<hbm>>) dst(%arg7 : memref<64x256xf32, #tpu.memory_space<vmem>>)
      %mul3A_79 = arith.constant 64 : i32
      %mul3A_80 = arith.muli %add3A_60, %mul3A_79 : i32
      %add3A_81 = arith.addi %mul3A_2, %mul3A_80 : i32
      %multiple_of3A_82 = tpu.assume_multiple %add3A_81, 64 : i32
      %dma_start3A_83 = arith.constant 0 : i32
      %dma_start3A_84 = tpu.memref_slice %arg4[%multiple_of3A_82, %dma_start3A_83] : memref<311296x256xf32, #tpu.memory_space<hbm>> -> memref<64x256xf32, #tpu.memory_space<hbm>>
      %dma_start3A_85 = arith.constant 0 : i32
      %dma_start3A_86 = tpu.memref_slice %arg4[%multiple_of3A_82, %dma_start3A_85] : memref<311296x256xf32, #tpu.memory_space<hbm>> -> memref<64x256xf32, #tpu.memory_space<hbm>>
      tpu.enqueue_dma source(%arg7 : memref<64x256xf32, #tpu.memory_space<vmem>>) target(%dma_start3A_86 : memref<64x256xf32, #tpu.memory_space<hbm>>) target_semaphore(%arg15 : memref<!tpu.dma_semaphore, #tpu.memory_space<semaphore_mem>>)
      %add3A_87 = arith.constant 2 : i32
      %add3A_88 = arith.addi %mul3A_34, %add3A_87 : i32
      %ge3A_89 = arith.constant 2 : i32
      %ge3A_90 = arith.cmpi sge, %add3A_88, %ge3A_89 : i32
      %convert_element_type3A_91 = arith.extui %ge3A_90 : i1 to i32
      %cond3A_92 = arith.constant 0 : i32
      %cond3A_93 = arith.cmpi ne, %convert_element_type3A_91, %cond3A_92 : i32
      scf.if %cond3A_93 {
        %sub3A = arith.constant 2 : i32
        %sub3A_144 = arith.subi %add3A_88, %sub3A : i32
        %mul3A_145 = arith.constant 64 : i32
        %mul3A_146 = arith.muli %sub3A_144, %mul3A_145 : i32
        %add3A_147 = arith.addi %mul3A_2, %mul3A_146 : i32
        %multiple_of3A_148 = tpu.assume_multiple %add3A_147, 64 : i32
        %dma_wait3A_149 = arith.constant 0 : i32
        %dma_wait3A_150 = tpu.memref_slice %arg4[%multiple_of3A_148, %dma_wait3A_149] : memref<311296x256xf32, #tpu.memory_space<hbm>> -> memref<64x256xf32, #tpu.memory_space<hbm>>
        %dma_wait3A_151 = arith.constant 0 : i32
        %dma_wait3A_152 = tpu.memref_slice %arg4[%multiple_of3A_148, %dma_wait3A_151] : memref<311296x256xf32, #tpu.memory_space<hbm>> -> memref<64x256xf32, #tpu.memory_space<hbm>>
        tpu.wait_dma2 semaphore(%arg14 : memref<!tpu.dma_semaphore, #tpu.memory_space<semaphore_mem>>) src(%arg6 : memref<64x256xf32, #tpu.memory_space<vmem>>) dst(%dma_wait3A_152 : memref<64x256xf32, #tpu.memory_space<hbm>>)
      } else {
      }
      %add3A_94 = arith.constant 2 : i32
      %add3A_95 = arith.addi %add3A_88, %add3A_94 : i32
      %lt3A_96 = arith.constant 152 : i32
      %lt3A_97 = arith.cmpi slt, %add3A_95, %lt3A_96 : i32
      %convert_element_type3A_98 = arith.extui %lt3A_97 : i1 to i32
      %cond3A_99 = arith.constant 0 : i32
      %cond3A_100 = arith.cmpi ne, %convert_element_type3A_98, %cond3A_99 : i32
      scf.if %cond3A_100 {
        %add3A_144 = arith.constant 2 : i32
        %add3A_145 = arith.addi %add3A_88, %add3A_144 : i32
        %mul3A_146 = arith.constant 64 : i32
        %mul3A_147 = arith.muli %add3A_145, %mul3A_146 : i32
        %dma_start3A_148 = tpu.memref_slice %arg5[%mul3A_147] : memref<9728xi32, #tpu.memory_space<vmem>> -> memref<64xi32, #tpu.memory_space<vmem>>
        %dma_start3A_149 = arith.constant 0 : i32
        %dma_start3A_150 = arith.constant 0 : i32
        %dma_start3A_151 = tpu.memref_slice %arg2[%dma_start3A_149, %dma_start3A_150] : memref<50000x256xf32, #tpu.memory_space<hbm>> -> memref<50000x256xf32, #tpu.memory_space<hbm>>
        tpu.enqueue_indirect_dma source(%dma_start3A_151 : memref<50000x256xf32, #tpu.memory_space<hbm>>) target(%arg6 : memref<64x256xf32, #tpu.memory_space<vmem>>) offsets(%dma_start3A_148 : memref<64xi32, #tpu.memory_space<vmem>>) semaphore(%arg10 : memref<!tpu.dma_semaphore, #tpu.memory_space<semaphore_mem>>)
      } else {
      }
      %mul3A_101 = arith.constant 64 : i32
      %mul3A_102 = arith.muli %add3A_88, %mul3A_101 : i32
      %dma_wait3A_103 = tpu.memref_slice %arg5[%mul3A_102] : memref<9728xi32, #tpu.memory_space<vmem>> -> memref<64xi32, #tpu.memory_space<vmem>>
      %dma_wait3A_104 = arith.constant 0 : i32
      %dma_wait3A_105 = arith.constant 0 : i32
      %dma_wait3A_106 = tpu.memref_slice %arg2[%dma_wait3A_104, %dma_wait3A_105] : memref<50000x256xf32, #tpu.memory_space<hbm>> -> memref<50000x256xf32, #tpu.memory_space<hbm>>
      tpu.wait_indirect_dma semaphore(%arg12 : memref<!tpu.dma_semaphore, #tpu.memory_space<semaphore_mem>>) src(%dma_wait3A_106 : memref<50000x256xf32, #tpu.memory_space<hbm>>) dst(%arg8 : memref<64x256xf32, #tpu.memory_space<vmem>>)
      %mul3A_107 = arith.constant 64 : i32
      %mul3A_108 = arith.muli %add3A_88, %mul3A_107 : i32
      %add3A_109 = arith.addi %mul3A_2, %mul3A_108 : i32
      %multiple_of3A_110 = tpu.assume_multiple %add3A_109, 64 : i32
      %dma_start3A_111 = arith.constant 0 : i32
      %dma_start3A_112 = tpu.memref_slice %arg4[%multiple_of3A_110, %dma_start3A_111] : memref<311296x256xf32, #tpu.memory_space<hbm>> -> memref<64x256xf32, #tpu.memory_space<hbm>>
      %dma_start3A_113 = arith.constant 0 : i32
      %dma_start3A_114 = tpu.memref_slice %arg4[%multiple_of3A_110, %dma_start3A_113] : memref<311296x256xf32, #tpu.memory_space<hbm>> -> memref<64x256xf32, #tpu.memory_space<hbm>>
      tpu.enqueue_dma source(%arg8 : memref<64x256xf32, #tpu.memory_space<vmem>>) target(%dma_start3A_114 : memref<64x256xf32, #tpu.memory_space<hbm>>) target_semaphore(%arg16 : memref<!tpu.dma_semaphore, #tpu.memory_space<semaphore_mem>>)
      %add3A_115 = arith.constant 3 : i32
      %add3A_116 = arith.addi %mul3A_34, %add3A_115 : i32
      %ge3A_117 = arith.constant 2 : i32
      %ge3A_118 = arith.cmpi sge, %add3A_116, %ge3A_117 : i32
      %convert_element_type3A_119 = arith.extui %ge3A_118 : i1 to i32
      %cond3A_120 = arith.constant 0 : i32
      %cond3A_121 = arith.cmpi ne, %convert_element_type3A_119, %cond3A_120 : i32
      scf.if %cond3A_121 {
        %sub3A = arith.constant 2 : i32
        %sub3A_144 = arith.subi %add3A_116, %sub3A : i32
        %mul3A_145 = arith.constant 64 : i32
        %mul3A_146 = arith.muli %sub3A_144, %mul3A_145 : i32
        %add3A_147 = arith.addi %mul3A_2, %mul3A_146 : i32
        %multiple_of3A_148 = tpu.assume_multiple %add3A_147, 64 : i32
        %dma_wait3A_149 = arith.constant 0 : i32
        %dma_wait3A_150 = tpu.memref_slice %arg4[%multiple_of3A_148, %dma_wait3A_149] : memref<311296x256xf32, #tpu.memory_space<hbm>> -> memref<64x256xf32, #tpu.memory_space<hbm>>
        %dma_wait3A_151 = arith.constant 0 : i32
        %dma_wait3A_152 = tpu.memref_slice %arg4[%multiple_of3A_148, %dma_wait3A_151] : memref<311296x256xf32, #tpu.memory_space<hbm>> -> memref<64x256xf32, #tpu.memory_space<hbm>>
        tpu.wait_dma2 semaphore(%arg15 : memref<!tpu.dma_semaphore, #tpu.memory_space<semaphore_mem>>) src(%arg7 : memref<64x256xf32, #tpu.memory_space<vmem>>) dst(%dma_wait3A_152 : memref<64x256xf32, #tpu.memory_space<hbm>>)
      } else {
      }
      %add3A_122 = arith.constant 2 : i32
      %add3A_123 = arith.addi %add3A_116, %add3A_122 : i32
      %lt3A_124 = arith.constant 152 : i32
      %lt3A_125 = arith.cmpi slt, %add3A_123, %lt3A_124 : i32
      %convert_element_type3A_126 = arith.extui %lt3A_125 : i1 to i32
      %cond3A_127 = arith.constant 0 : i32
      %cond3A_128 = arith.cmpi ne, %convert_element_type3A_126, %cond3A_127 : i32
      scf.if %cond3A_128 {
        %add3A_144 = arith.constant 2 : i32
        %add3A_145 = arith.addi %add3A_116, %add3A_144 : i32
        %mul3A_146 = arith.constant 64 : i32
        %mul3A_147 = arith.muli %add3A_145, %mul3A_146 : i32
        %dma_start3A_148 = tpu.memref_slice %arg5[%mul3A_147] : memref<9728xi32, #tpu.memory_space<vmem>> -> memref<64xi32, #tpu.memory_space<vmem>>
        %dma_start3A_149 = arith.constant 0 : i32
        %dma_start3A_150 = arith.constant 0 : i32
        %dma_start3A_151 = tpu.memref_slice %arg2[%dma_start3A_149, %dma_start3A_150] : memref<50000x256xf32, #tpu.memory_space<hbm>> -> memref<50000x256xf32, #tpu.memory_space<hbm>>
        tpu.enqueue_indirect_dma source(%dma_start3A_151 : memref<50000x256xf32, #tpu.memory_space<hbm>>) target(%arg7 : memref<64x256xf32, #tpu.memory_space<vmem>>) offsets(%dma_start3A_148 : memref<64xi32, #tpu.memory_space<vmem>>) semaphore(%arg11 : memref<!tpu.dma_semaphore, #tpu.memory_space<semaphore_mem>>)
      } else {
      }
      %mul3A_129 = arith.constant 64 : i32
      %mul3A_130 = arith.muli %add3A_116, %mul3A_129 : i32
      %dma_wait3A_131 = tpu.memref_slice %arg5[%mul3A_130] : memref<9728xi32, #tpu.memory_space<vmem>> -> memref<64xi32, #tpu.memory_space<vmem>>
      %dma_wait3A_132 = arith.constant 0 : i32
      %dma_wait3A_133 = arith.constant 0 : i32
      %dma_wait3A_134 = tpu.memref_slice %arg2[%dma_wait3A_132, %dma_wait3A_133] : memref<50000x256xf32, #tpu.memory_space<hbm>> -> memref<50000x256xf32, #tpu.memory_space<hbm>>
      tpu.wait_indirect_dma semaphore(%arg13 : memref<!tpu.dma_semaphore, #tpu.memory_space<semaphore_mem>>) src(%dma_wait3A_134 : memref<50000x256xf32, #tpu.memory_space<hbm>>) dst(%arg9 : memref<64x256xf32, #tpu.memory_space<vmem>>)
      %mul3A_135 = arith.constant 64 : i32
      %mul3A_136 = arith.muli %add3A_116, %mul3A_135 : i32
      %add3A_137 = arith.addi %mul3A_2, %mul3A_136 : i32
      %multiple_of3A_138 = tpu.assume_multiple %add3A_137, 64 : i32
      %dma_start3A_139 = arith.constant 0 : i32
      %dma_start3A_140 = tpu.memref_slice %arg4[%multiple_of3A_138, %dma_start3A_139] : memref<311296x256xf32, #tpu.memory_space<hbm>> -> memref<64x256xf32, #tpu.memory_space<hbm>>
      %dma_start3A_141 = arith.constant 0 : i32
      %dma_start3A_142 = tpu.memref_slice %arg4[%multiple_of3A_138, %dma_start3A_141] : memref<311296x256xf32, #tpu.memory_space<hbm>> -> memref<64x256xf32, #tpu.memory_space<hbm>>
      tpu.enqueue_dma source(%arg9 : memref<64x256xf32, #tpu.memory_space<vmem>>) target(%dma_start3A_142 : memref<64x256xf32, #tpu.memory_space<hbm>>) target_semaphore(%arg17 : memref<!tpu.dma_semaphore, #tpu.memory_space<semaphore_mem>>)
      %scan3A_143 = arith.constant 0 : i32
      scf.yield %scan3A_143 : i32
    }
    %scan3A_17 = arith.constant 38 : i32
    %add3A_18 = arith.constant 9600 : i32
    %add3A_19 = arith.addi %mul3A_2, %add3A_18 : i32
    %multiple_of3A_20 = tpu.assume_multiple %add3A_19, 64 : i32
    %dma_wait3A = arith.constant 0 : i32
    %dma_wait3A_21 = tpu.memref_slice %arg4[%multiple_of3A_20, %dma_wait3A] : memref<311296x256xf32, #tpu.memory_space<hbm>> -> memref<64x256xf32, #tpu.memory_space<hbm>>
    %dma_wait3A_22 = arith.constant 0 : i32
    %dma_wait3A_23 = tpu.memref_slice %arg4[%multiple_of3A_20, %dma_wait3A_22] : memref<311296x256xf32, #tpu.memory_space<hbm>> -> memref<64x256xf32, #tpu.memory_space<hbm>>
    tpu.wait_dma2 semaphore(%arg16 : memref<!tpu.dma_semaphore, #tpu.memory_space<semaphore_mem>>) src(%arg8 : memref<64x256xf32, #tpu.memory_space<vmem>>) dst(%dma_wait3A_23 : memref<64x256xf32, #tpu.memory_space<hbm>>)
    %add3A_24 = arith.constant 9664 : i32
    %add3A_25 = arith.addi %mul3A_2, %add3A_24 : i32
    %multiple_of3A_26 = tpu.assume_multiple %add3A_25, 64 : i32
    %dma_wait3A_27 = arith.constant 0 : i32
    %dma_wait3A_28 = tpu.memref_slice %arg4[%multiple_of3A_26, %dma_wait3A_27] : memref<311296x256xf32, #tpu.memory_space<hbm>> -> memref<64x256xf32, #tpu.memory_space<hbm>>
    %dma_wait3A_29 = arith.constant 0 : i32
    %dma_wait3A_30 = tpu.memref_slice %arg4[%multiple_of3A_26, %dma_wait3A_29] : memref<311296x256xf32, #tpu.memory_space<hbm>> -> memref<64x256xf32, #tpu.memory_space<hbm>>
    tpu.wait_dma2 semaphore(%arg17 : memref<!tpu.dma_semaphore, #tpu.memory_space<semaphore_mem>>) src(%arg9 : memref<64x256xf32, #tpu.memory_space<vmem>>) dst(%dma_wait3A_30 : memref<64x256xf32, #tpu.memory_space<hbm>>)
    return
  }
}

</mosaic_0001>

<sc_bundles>
// kernel: _sc_gather.3.cloned.1.call-start
scs
__scs_entry_jumppad:
0x0: {  	(pc) =	sbr.rel $0x88, $3  }
0x1: {  	(tag) =	ssettag $0x0;
	lr =	simm.s32 $0x1  }
0x2: {  	[smem:$0x3F9F] =	sst lr;
	_ =	strace $0xD0000000  }
0x3: {  	_ = 	snop  }
0x4: {  	_ = 	snop  }
0x5: {  	_ = 	snop  }
0x6: {  	_ = 	snop  }
0x7: {  	_ = 	snop  }
__scs_overlays_trampoline_lowered:
0x8: {  	[smem:$0x3FAE] =	sst s0  }
0x9: {  	[smem:$0x3FAF] =	sst s1  }
0xa: {  	[smem:$0x3FB0] =	sst s2  }
0xb: {  	[smem:$0x3FB1] =	sst s3  }
0xc: {  	[smem:$0x3FB2] =	sst s4  }
0xd: {  	[smem:$0x3FB3] =	sst s5  }
0xe: {  	[smem:$0x3FB4] =	sst s6  }
0xf: {  	[smem:$0x3FB5] =	sst s7  }
0x10: {  	[smem:$0x3FB6] =	sst s8  }
0x11: {  	[smem:$0x3FB7] =	sst s9;
	s0 =	simm.s32 @!p0 $0x0  }
0x12: {  	s1 =	sld [smem:$0x3F9D];
	s0 =	simm.s32 @p0 $0x1  }
0x13: {  	[smem:$0x3FB8] =	sst s0;
	s0 =	simm.s32 @!p1 $0x0  }
0x14: {  	s2 =	sld [smem:$0x3F9C];
	s0 =	simm.s32 @p1 $0x1  }
0x15: {  	[smem:$0x3FB9] =	sst s0;
	s0 =	simm.s32 @!p2 $0x0  }
0x16: {  	s3 =	sld [smem:$0x3FDB];
	s0 =	simm.s32 @p2 $0x1  }
0x17: {  	s4 =	simm.s32 $0x1BF5;
	[smem:$0x3FBB] =	sst s0  }
0x18: {  	s0 =	sld [smem:$0x3F9E];
	_ =	swait.ge [sflag:s4], $0x0  }
0x19: {  	s7 =	sld [smem:$0x3F9F]  }
0x1a: {  	s8 =	sadd.s32 $0xFFFFE003, lr  }
0x1b: {  	s9 =	sadd.s32 $0xFFFFFEF7, lr;
	s5 =	simm.s32 $0xFFFFFFFF;
	p2 =	slt.u32 s8, $0xFFFFF086  }
0x1c: {  	p1 =	slt.u32 s9, $0xF7A;
	s5 =	simm.s32 @!p2 $0x0  }
0x1d: {  	s5 =	simm.s32 @p1 $0x1;
	p0 =	seq.s32 s7, s2  }
0x1e: {  	s7 =	smul.u32 @!p0 $0xF7A, s2;
	p2 =	seq.s32 @!p0 s5, $0x0  }
0x1f: {  	s9 =	smul.u32 $0xF7A, s1;
	s8 =	simm.s32 @!p0 $0x1BF5;
	p2 =	por !p2, p0  }
0x20: {  	[sflag:s8] =	ssyncset.s32 @!p0 $0xFFFFF086;
	s6 =	sadd.s32 @!p0 s3, s7;
	s7 =	simm.s32 @!p0 $0x108  }
0x21: {  	s3 =	sadd.s32 s3, s9;
	s6 =	sadd.s32 @!p0 $0x88, s6;
	s7 =	simm.s32 @p2 $0x1082  }
0x22: {  	[simem:s7], [sflag:s8] =	dma.local @!p0 [hbm:s6], $0xF7A  }
0x23: {  	s9 =	sor.u32 $0xD0000000, s2;
	s6 =	simm.s32 $0x108;
	_ =	swait.ge @!p0 [sflag:s8], $0x0  }
0x24: {  	s3 =	sadd.s32 $0x88, s3;
	s6 =	simm.s32 @!p1 $0x1082;
	[sflag:s4] =	ssyncset.s32 $0xFFFFF086  }
0x25: {  	[simem:s6], [sflag:s4] =	dma.local [hbm:s3], $0xF7A  }
0x26: {  	[smem:$0x3F9F] =	sst s1;
	(tag) =	ssettag s2;
	_ =	strace s9  }
0x27: {  	s1 =	sld [smem:$0x3FAF]  }
0x28: {  	s2 =	sld [smem:$0x3FB0]  }
0x29: {  	s4 =	sld [smem:$0x3FB2]  }
0x2a: {  	p0 =	seq.s32 s5, $0x0;
	s5 =	sld [smem:$0x3FB3]  }
0x2b: {  	s6 =	sld [smem:$0x3FB4]  }
0x2c: {  	s7 =	sld [smem:$0x3FB5]  }
0x2d: {  	s3 =	simm.s32 $0x108;
	s8 =	sld [smem:$0x3FB6]  }
0x2e: {  	s3 =	simm.s32 @!p0 $0x1082;
	s9 =	sld [smem:$0x3FB7]  }
0x2f: {  	lr =	sadd.s32 s0, s3;
	s0 =	sld [smem:$0x3FAE]  }
0x30: {  	s3 =	sld [smem:$0x3FB1]  }
0x31: {  	[smem:$0x3FBA] =	sst s10  }
0x32: {  	s10 =	sld [smem:$0x3FB8];
	_ =	sdelay $0x3  }
0x33: {  	p0 =	seq.s32 s10, $0x1;
	s10 =	sld [smem:$0x3FBA];
	_ =	sdelay $0x3  }
0x34: {  	[smem:$0x3FBA] =	sst s10  }
0x35: {  	s10 =	sld [smem:$0x3FB9];
	_ =	sdelay $0x3  }
0x36: {  	p1 =	seq.s32 s10, $0x1;
	s10 =	sld [smem:$0x3FBA];
	_ =	sdelay $0x3  }
0x37: {  	[smem:$0x3FBA] =	sst s10  }
0x38: {  	s10 =	sld [smem:$0x3FBB]  }
0x39: {  	_ = 	snop;
	(pc) =	sbr.ind lr, $3  }
0x3a: {  	_ = 	snop  }
0x3b: {  	_ = 	snop  }
0x3c: {  	p2 =	seq.s32 s10, $0x1;
	s10 =	sld [smem:$0x3FBA]  }
0x3d: {  	_ =	shalt  }
0x3e: {  	_ =	shalt  }
0x3f: {  	_ =	shalt  }
0x40: {  	_ =	shalt  }
0x41: {  	_ =	shalt  }
0x42: {  	_ =	shalt  }
0x43: {  	_ =	shalt  }
0x44: {  	_ =	shalt  }
0x45: {  	_ =	shalt  }
0x46: {  	_ =	shalt  }
0x47: {  	_ =	shalt  }
0x48: {  	_ =	shalt  }
0x49: {  	_ =	shalt  }
0x4a: {  	_ =	shalt  }
0x4b: {  	_ =	shalt  }
0x4c: {  	_ =	shalt  }
0x4d: {  	_ =	shalt  }
0x4e: {  	_ =	shalt  }
0x4f: {  	_ =	shalt  }
0x50: {  	_ =	shalt  }
0x51: {  	_ =	shalt  }
0x52: {  	_ =	shalt  }
0x53: {  	_ =	shalt  }
0x54: {  	_ =	shalt  }
0x55: {  	_ =	shalt  }
0x56: {  	_ =	shalt  }
0x57: {  	_ =	shalt  }
0x58: {  	_ =	shalt  }
0x59: {  	_ =	shalt  }
0x5a: {  	_ =	shalt  }
0x5b: {  	_ =	shalt  }
0x5c: {  	_ =	shalt  }
0x5d: {  	_ =	shalt  }
0x5e: {  	_ =	shalt  }
0x5f: {  	_ =	shalt  }
0x60: {  	_ =	shalt  }
0x61: {  	_ =	shalt  }
0x62: {  	_ =	shalt  }
0x63: {  	_ =	shalt  }
0x64: {  	_ =	shalt  }
0x65: {  	_ =	shalt  }
0x66: {  	_ =	shalt  }
0x67: {  	_ =	shalt  }
0x68: {  	_ =	shalt  }
0x69: {  	_ =	shalt  }
0x6a: {  	_ =	shalt  }
0x6b: {  	_ =	shalt  }
0x6c: {  	_ =	shalt  }
0x6d: {  	_ =	shalt  }
0x6e: {  	_ =	shalt  }
0x6f: {  	_ =	shalt  }
0x70: {  	_ =	shalt  }
0x71: {  	_ =	shalt  }
0x72: {  	_ =	shalt  }
0x73: {  	_ =	shalt  }
0x74: {  	_ =	shalt  }
0x75: {  	_ =	shalt  }
0x76: {  	_ =	shalt  }
0x77: {  	_ =	shalt  }
0x78: {  	_ =	shalt  }
0x79: {  	_ =	shalt  }
0x7a: {  	_ =	shalt  }
0x7b: {  	_ =	shalt  }
0x7c: {  	_ =	shalt  }
0x7d: {  	_ =	shalt  }
0x7e: {  	_ =	shalt  }
0x7f: {  	_ =	shalt  }
0x80: {  	_ =	shalt  }
0x81: {  	_ =	shalt  }
0x82: {  	_ =	shalt  }
0x83: {  	_ =	shalt  }
0x84: {  	_ =	shalt  }
0x85: {  	_ =	shalt  }
0x86: {  	_ =	shalt  }
0x87: {  	_ =	shalt  }
.Lfunc_end0:
.L_simem_size_0:
called_computation_lowered:
.L_overlay_start_0:
0x88: {  	s2 =	sld [smem:$0x3FD9]  }
0x89: {  	s3 =	sld [smem:$0x3FFE];
	_ =	sdelay $0x1  }
0x8a: {  	s1 =	srdreg.scid  }
0x8b: {  	s0 =	sand.u32 $0x1, s1  }
0x8c: {  	s18 =	sshll.u32 s0, $0xA;
	s2 =	sadd.s32 s3, s2  }
0x8d: {  	s2 =	sadd.s32 s2, s18  }
0x8e: {  	[smem:$0x3FC6] =	sst s2  }
0x8f: {  	_ = 	snop  }
0x90: {  	s2 =	sld [smem:$0x3FC9]  }
0x91: {  	s19 =	sld [smem:$0x3FC8]  }
0x92: {  	s4 =	sld [smem:$0x3FD0];
	(tm) =	ssettm $0x1  }
0x93: {  	s5 =	sld [smem:$0x3FFB];
	_ =	sdelay $0x3  }
0x94: {  	_ =	strace s5  }
0x95: {  	s5 =	sld [smem:$0x3FFC];
	_ =	sdelay $0x3  }
0x96: {  	_ =	strace s5  }
0x97: {  	s5 =	sld [smem:$0x3FFD];
	_ =	sdelay $0x3  }
0x98: {  	_ =	strace s5  }
0x99: {  	_ =	strace $0x8FFFFFFF  }
0x9a: {  	s20 =	sld [smem:$0x3FDB];
	_ =	sdelay $0x1  }
0x9b: {  	s6 =	simm.s32 $_scs_section_size  }
0x9c: {  	s7 =	simm.s32 $_size__tile_overlayer_lowered;
	s8 =	simm.s32 $_tile_overlayer_lowered  }
0x9d: {  	s23 =	simm.s32 $0x1BFF;
	s22 =	sshll.u32 s8, $0x1;
	s5 =	sadd.s32 s6, s20  }
0x9e: {  	s9 =	simm.s32 $0x0;
	s21 =	sshll.u32 s7, $0x1;
	s7 =	sadd.s32 s22, s5  }
0x9f: {  	[timem:s9], [sflag:s23] =	dma.local [hbm:s7], s21  }
0xa0: {  	_ =	swait.ge [sflag:s23], s21  }
0xa1: {  	s6 =	ssub.s32 $0x0, s21;
	[sflag:s23] =	ssyncset.done $0x0  }
0xa2: {  	[sflag:s23] =	ssyncadd.s32 s6;
	_ =	sdelay $0x1  }
0xa3: {  	s24 =	simm.s32 $0x1B8B  }
0xa4: {  	_ =	swait.ge [sflag:s24], $0x1  }
0xa5: {  	[sflag:s24] =	ssyncset.done $0x0  }
0xa6: {  	s25 =	simm.s32 $0x1B8E;
	[sflag:s24] =	ssyncadd.s32 $0xFFFFFFFF  }
0xa7: {  	s26 =	simm.s32 $execute0_lowered;
	[smem:$0x3FD2] =	sst s25  }
0xa8: {  	s6 =	sshll.u32 s26, $0x1;
	_ =	strace $0x80000046;
	[dreg:$0x1] =	wrdreg $0xFFFFFFFF  }
0xa9: {  	s28 =	simm.s32 $_size_execute0_lowered;
	s5 =	sadd.s32 s5, s6;
	[dreg:$0x0] =	wrdreg $0x0  }
0xaa: {  	s6 =	sshll.u32 s28, $0x1;
	[dreg:$0x2] =	wrdreg s5  }
0xab: {  	[dreg:$0x3] =	wrdreg s6  }
0xac: {  	[dreg:$0x4] =	wrdreg $0xC0  }
0xad: {  	_ =	task [dreg:s9], $0x5FFFF  }
0xae: {  	[dreg:$0x1] =	wrdreg $0xFFFFFFFF  }
0xaf: {  	[dreg:$0x0] =	wrdreg $0x60  }
0xb0: {  	[dreg:$0x2] =	wrdreg s2  }
0xb1: {  	[dreg:$0x3] =	wrdreg s19  }
0xb2: {  	[dreg:$0x4] =	wrdreg s4  }
0xb3: {  	[dreg:$0x5] =	wrdreg $0x9  }
0xb4: {  	_ =	task.clear_ibuf [dreg:s9], $0x6FFFF;
	_ =	strace $0x90000046  }
0xb5: {  	s29 =	simm.s32 $0x9;
	_ =	strace $0x80000048  }
0xb6: {  	_ =	swait.ge [sflag:s29], $0x1  }
0xb7: {  	[sflag:s29] =	ssyncadd.s32 $0xFFFFFFFF  }
0xb8: {  	_ =	strace $0x90000048  }
0xb9: {  	_ =	sfence  }
0xba: {  	s30 =	sld [smem:$0x0];
	_ =	sdelay $0x2  }
0xbb: {  	s31 =	sshll.u32 s1, $0xD;
	s1 =	sshrl.u32 s1, $0x2  }
0xbc: {  	s3 =	sand.u32 $0x4000, s31;
	s1 =	sadd.s32 s1, s30  }
0xbd: {  	s0 =	sor.u32 s3, s0;
	s1 =	sshll.u32 s1, $0x11  }
0xbe: {  	s0 =	sor.u32 s1, s0  }
0xbf: {  	s0 =	sadd.s32 $0x8F2B, s0  }
0xc0: {  	[sflag:s0] =	ssyncadd.remote.s32 $0x1  }
0xc1: {  	_ =	sfence.sel $0xFFFF  }
0xc2: {  	[dreg:$0x0] =	wrdreg $0xFFFFFFFF;
	(pc) =	sbr.abs _section_cstart, $3  }
0xc3: {  	[dreg:$0x1] =	wrdreg $0xFFFFFFFF  }
0xc4: {  	_ =	task.clear_ibuf [dreg:s9], $0x2FFFF;
	_ =	strace $0x9FFFFFFF  }
0xc5: {  	(tm) =	ssettm $0x7FFFFFFF  }
tec
execute0_lowered:
.L_overlay_start_1:
0x0: {  	(tag) =	ssettag $0x1  }
0x1: {  	s2 =	rddreg [dreg:$0x0]  }
0x2: {  	s0 =	rddreg [dreg:$0x1]  }
0x3: {  	s1 =	rddreg [dreg:$0x2];
	s3 =	srdreg.scid  }
0x4: {  	s10 =	stileid.u32;
	s13 =	simm.s32 $0xAE00;
	s14 =	simm.s32 $0xB600  }
0x5: {  	s15 =	simm.s32 $0xBE00;
	s16 =	simm.s32 $0xC600;
	s17 =	simm.s32 $0xCE00  }
0x6: {  	s18 =	simm.s32 $0xD600;
	s19 =	simm.s32 $0xDE00;
	s20 =	simm.s32 $0xEE00  }
0x7: {  	s21 =	simm.s32 $0xF600;
	s5 =	sand.u32 $0x1, s3;
	s3 =	simm.s32 $0x0  }
0x8: {  	s22 =	simm.s32 $0xFE00;
	s28 =	simm.s32 $0x5;
	[smem:$0x7FF] =	sst s3  }
0x9: {  	s29 =	simm.s32 $0x3;
	_ =	strace $0x80000047;
	[dreg:$0x8] =	wrdreg s13  }
0xa: {  	s30 =	simm.s32 $0x6;
	s4 =	smul.u32 $0x4C0000, s10;
	[dreg:$0x9] =	wrdreg s14  }
0xb: {  	s6 =	sshll.u32 s10, $0x1;
	s26 =	smul.u32 $0x98000, s10;
	[dreg:$0xa] =	wrdreg s15  }
0xc: {  	s7 =	smul.u32 $0x260000, s5;
	s6 =	sor.u32 s5, s6;
	[dreg:$0xb] =	wrdreg s16  }
0xd: {  	s8 =	ssub.s32 $0x2, s5;
	s5 =	smul.u32 $0x4C000, s5;
	[dreg:$0xc] =	wrdreg s17  }
0xe: {  	s31 =	simm.s32 $0x4;
	s6 =	smul.u32 $0x4C0, s6;
	[dreg:$0xd] =	wrdreg s18  }
0xf: {  	s23 =	sshrl.u32 s8, $0x1;
	s13 =	simm.s32 $0x5600;
	[dreg:$0xe] =	wrdreg s19  }
0x10: {  	s14 =	simm.s32 $0x5E00;
	s15 =	simm.s32 $0x6600;
	[dreg:$0xf] =	wrdreg s20  }
0x11: {  	s16 =	simm.s32 $0x6E00;
	s17 =	simm.s32 $0x7600;
	[dreg:$0x10] =	wrdreg s21  }
0x12: {  	s18 =	simm.s32 $0x7E00;
	s19 =	simm.s32 $0x8600;
	[dreg:$0x11] =	wrdreg s22  }
0x13: {  	s20 =	simm.s32 $0x8E00;
	s21 =	simm.s32 $0x9600;
	s22 =	simm.s32 $0x9E00  }
0x14: {  	s7 =	sadd.s32 s7, s4;
	s8 =	ssub.s32 s8, s23;
	s23 =	simm.s32 $0x10600  }
0x15: {  	s9 =	sor.u32 $0x8000, s7;
	s4 =	sadd.s32 s0, s6;
	s25 =	sor.u32 $0xC000, s7  }
0x16: {  	s7 =	sshrl.u32 s7, $0x3;
	[dreg:$0x12] =	wrdreg s23;
	s23 =	simm.s32 $0xA600  }
0x17: {  	s24 =	sshrl.u32 s9, $0x3;
	s6 =	sshrl.u32 s25, $0x3;
	s9 =	sadd.s32 s26, s1  }
0x18: {  	s10 =	sadd.s32 s7, s1;
	s7 =	simm.s32 $0x2600;
	s25 =	simm.s32 $0x11600  }
0x19: {  	s26 =	simm.s32 $0x11E00;
	s0 =	sadd.s32 s24, s1;
	[dreg:$0x6] =	wrdreg s10  }
0x1a: {  	s11 =	sadd.s32 s5, s9;
	s5 =	smax.u32 s8, $0x1;
	[dreg:$0x14] =	wrdreg s25  }
0x1b: {  	s24 =	simm.s32 $0x10E00;
	[dreg:$0x15] =	wrdreg s26;
	s25 =	simm.s32 $0xE600  }
0x1c: {  	s26 =	simm.s32 $0x2;
	s8 =	simm.s32 $0x0;
	[dreg:$0x4] =	wrdreg s0  }
0x1d: {  	v2 =	vlaneseq.u32;
	s0 =	sadd.s32 s6, s1;
	s12 =	sadd.s32 $0x800, s11;
	[dreg:$0x13] =	wrdreg s24  }
0x1e: {  	vm0 =	vmmov $0xffff;
	v1 =	vshrl.u32 v2, $0x3;
	s6 =	simm.s32 $0x9;
	s24 =	simm.s32 $0x1;
	[dreg:$0x5] =	wrdreg s0  }
0x1f: {  	v0 =	vand.u32 $0x7, v2;
	v2 =	vor.u32 $0x8, v2;
	v1 =	vmul.u32 $0x8, v1;
	s1 =	simm.s32 $0x8;
	[dreg:$0x7] =	wrdreg s12;
	s0 =	simm.s32 $0x7  }
.LBB2_1:
0x20: {  	[tilespmem:s3], [sflag:$0x9] =	stream.linear.gather [hbm4b:s4+s3], $0x2600, $0x38;
	[tilespmem:$0x12600] =	vst v63  }
0x21: {  	_ =	swait.ge [sflag:s6], $0x2600  }
0x22: {  	[sflag:s6] =	ssyncset.done $0x0  }
0x23: {  	[sflag:s6] =	ssyncadd.s32 $0xFFFFDA00  }
0x24: {  	v3 =	vld [tilespmem:$0x0];
	_ =	sdelay $0x4  }
0x25: {  	v4 =	vshll.u32 v3, $0x1  }
0x26: {  	v3 =	vand.u32 $0x7, v3;
	v4 =	vand.u32 $0xFFFFFFF0, v4  }
0x27: {  	v3 =	vor.u32 v3, v4  }
0x28: {  	v4 =	vperm.xlane v3, v0;
	_ =	sdelay $0x1  }
0x29: {  	v3 =	vperm.xlane v3, v2;
	v4 =	vadd.s32 v1, v4;
	_ =	sdelay $0x1  }
0x2a: {  	v3 =	vadd.s32 v1, v3;
	_ =	sdelay $0x2  }
0x2b: {  	[tilespmem:s7], [sflag:$0x1] =	stream.indirect_vreg.gather [hbm4b:s2+s3], $0x80, v4, vm0, $0xb8;
	[tilespmem:$0x12600] =	vst v63  }
0x2c: {  	s9 =	simm.s32 $0x2E00  }
0x2d: {  	[tilespmem:s9], [sflag:$0x1] =	stream.indirect_vreg.gather [hbm4b:s2+s3], $0x80, v3, vm0, $0xb8;
	[tilespmem:$0x12600] =	vst v63  }
0x2e: {  	v3 =	vld [tilespmem:$0x10];
	_ =	sdelay $0x4  }
0x2f: {  	v57 =	vshll.u32 v3, $0x1  }
0x30: {  	v3 =	vand.u32 $0x7, v3;
	v4 =	vand.u32 $0xFFFFFFF0, v57  }
0x31: {  	v3 =	vor.u32 v3, v4  }
0x32: {  	v4 =	vperm.xlane v3, v0;
	_ =	sdelay $0x1  }
0x33: {  	v3 =	vperm.xlane v3, v2;
	v4 =	vadd.s32 v1, v4;
	_ =	sdelay $0x1  }
0x34: {  	v3 =	vadd.s32 v1, v3;
	_ =	sdelay $0x1  }
0x35: {  	s12 =	simm.s32 $0x3600  }
0x36: {  	[tilespmem:s12], [sflag:$0x1] =	stream.indirect_vreg.gather [hbm4b:s2+s3], $0x80, v4, vm0, $0xb8;
	[tilespmem:$0x12600] =	vst v63  }
0x37: {  	s10 =	simm.s32 $0x3E00  }
0x38: {  	[tilespmem:s10], [sflag:$0x1] =	stream.indirect_vreg.gather [hbm4b:s2+s3], $0x80, v3, vm0, $0xb8;
	[tilespmem:$0x12600] =	vst v63  }
0x39: {  	v3 =	vld [tilespmem:$0x20];
	_ =	sdelay $0x4  }
0x3a: {  	v58 =	vshll.u32 v3, $0x1  }
0x3b: {  	v3 =	vand.u32 $0x7, v3;
	v4 =	vand.u32 $0xFFFFFFF0, v58  }
0x3c: {  	v3 =	vor.u32 v3, v4  }
0x3d: {  	v4 =	vperm.xlane v3, v0;
	_ =	sdelay $0x1  }
0x3e: {  	v3 =	vperm.xlane v3, v2;
	v4 =	vadd.s32 v1, v4;
	_ =	sdelay $0x1  }
0x3f: {  	v3 =	vadd.s32 v1, v3;
	_ =	sdelay $0x1  }
0x40: {  	s11 =	simm.s32 $0x4600  }
0x41: {  	[tilespmem:s11], [sflag:$0x1] =	stream.indirect_vreg.gather [hbm4b:s2+s3], $0x80, v4, vm0, $0xb8;
	[tilespmem:$0x12600] =	vst v63  }
0x42: {  	s12 =	simm.s32 $0x4E00  }
0x43: {  	[tilespmem:s12], [sflag:$0x1] =	stream.indirect_vreg.gather [hbm4b:s2+s3], $0x80, v3, vm0, $0xb8;
	[tilespmem:$0x12600] =	vst v63  }
0x44: {  	v3 =	vld [tilespmem:$0x30];
	_ =	sdelay $0x4  }
0x45: {  	v59 =	vshll.u32 v3, $0x1  }
0x46: {  	v3 =	vand.u32 $0x7, v3;
	v4 =	vand.u32 $0xFFFFFFF0, v59  }
0x47: {  	v3 =	vor.u32 v3, v4  }
0x48: {  	v4 =	vperm.xlane v3, v0;
	_ =	sdelay $0x1  }
0x49: {  	v3 =	vperm.xlane v3, v2;
	v4 =	vadd.s32 v1, v4;
	_ =	sdelay $0x1  }
0x4a: {  	v3 =	vadd.s32 v1, v3;
	_ =	sdelay $0x2  }
0x4b: {  	[tilespmem:s13], [sflag:$0x1] =	stream.indirect_vreg.gather [hbm4b:s2+s3], $0x80, v4, vm0, $0xb8;
	[tilespmem:$0x12600] =	vst v63  }
0x4c: {  	_ = 	snop  }
0x4d: {  	[tilespmem:s14], [sflag:$0x1] =	stream.indirect_vreg.gather [hbm4b:s2+s3], $0x80, v3, vm0, $0xb8;
	[tilespmem:$0x12600] =	vst v63  }
0x4e: {  	v3 =	vld [tilespmem:$0x40];
	_ =	sdelay $0x4  }
0x4f: {  	v60 =	vshll.u32 v3, $0x1  }
0x50: {  	v3 =	vand.u32 $0x7, v3;
	v4 =	vand.u32 $0xFFFFFFF0, v60  }
0x51: {  	v3 =	vor.u32 v3, v4  }
0x52: {  	v4 =	vperm.xlane v3, v0;
	_ =	sdelay $0x1  }
0x53: {  	v3 =	vperm.xlane v3, v2;
	v4 =	vadd.s32 v1, v4;
	_ =	sdelay $0x1  }
0x54: {  	v3 =	vadd.s32 v1, v3;
	_ =	sdelay $0x2  }
0x55: {  	[tilespmem:s15], [sflag:$0x2] =	stream.indirect_vreg.gather [hbm4b:s2+s3], $0x80, v4, vm0, $0xb8;
	[tilespmem:$0x12600] =	vst v63  }
0x56: {  	_ = 	snop  }
0x57: {  	[tilespmem:s16], [sflag:$0x2] =	stream.indirect_vreg.gather [hbm4b:s2+s3], $0x80, v3, vm0, $0xb8;
	[tilespmem:$0x12600] =	vst v63  }
0x58: {  	v3 =	vld [tilespmem:$0x50];
	_ =	sdelay $0x4  }
0x59: {  	v61 =	vshll.u32 v3, $0x1  }
0x5a: {  	v3 =	vand.u32 $0x7, v3;
	v4 =	vand.u32 $0xFFFFFFF0, v61  }
0x5b: {  	v3 =	vor.u32 v3, v4  }
0x5c: {  	v4 =	vperm.xlane v3, v0;
	_ =	sdelay $0x1  }
0x5d: {  	v3 =	vperm.xlane v3, v2;
	v4 =	vadd.s32 v1, v4;
	_ =	sdelay $0x1  }
0x5e: {  	v3 =	vadd.s32 v1, v3;
	_ =	sdelay $0x2  }
0x5f: {  	[tilespmem:s17], [sflag:$0x2] =	stream.indirect_vreg.gather [hbm4b:s2+s3], $0x80, v4, vm0, $0xb8;
	[tilespmem:$0x12600] =	vst v63  }
0x60: {  	_ = 	snop  }
0x61: {  	[tilespmem:s18], [sflag:$0x2] =	stream.indirect_vreg.gather [hbm4b:s2+s3], $0x80, v3, vm0, $0xb8;
	[tilespmem:$0x12600] =	vst v63  }
0x62: {  	v3 =	vld [tilespmem:$0x60];
	_ =	sdelay $0x4  }
0x63: {  	v62 =	vshll.u32 v3, $0x1  }
0x64: {  	v3 =	vand.u32 $0x7, v3;
	v4 =	vand.u32 $0xFFFFFFF0, v62  }
0x65: {  	v3 =	vor.u32 v3, v4  }
0x66: {  	v4 =	vperm.xlane v3, v0;
	_ =	sdelay $0x1  }
0x67: {  	v3 =	vperm.xlane v3, v2;
	v4 =	vadd.s32 v1, v4;
	_ =	sdelay $0x1  }
0x68: {  	v3 =	vadd.s32 v1, v3;
	_ =	sdelay $0x2  }
0x69: {  	[tilespmem:s19], [sflag:$0x2] =	stream.indirect_vreg.gather [hbm4b:s2+s3], $0x80, v4, vm0, $0xb8;
	[tilespmem:$0x12600] =	vst v63  }
0x6a: {  	_ = 	snop  }
0x6b: {  	[tilespmem:s20], [sflag:$0x2] =	stream.indirect_vreg.gather [hbm4b:s2+s3], $0x80, v3, vm0, $0xb8;
	[tilespmem:$0x12600] =	vst v63  }
0x6c: {  	v3 =	vld [tilespmem:$0x70];
	_ =	sdelay $0x4  }
0x6d: {  	v63 =	vshll.u32 v3, $0x1  }
0x6e: {  	v3 =	vand.u32 $0x7, v3;
	v4 =	vand.u32 $0xFFFFFFF0, v63  }
0x6f: {  	v3 =	vor.u32 v3, v4  }
0x70: {  	v4 =	vperm.xlane v3, v0;
	_ =	sdelay $0x1  }
0x71: {  	v3 =	vperm.xlane v3, v2;
	v4 =	vadd.s32 v1, v4;
	_ =	sdelay $0x1  }
0x72: {  	v3 =	vadd.s32 v1, v3;
	_ =	sdelay $0x2  }
0x73: {  	[tilespmem:s21], [sflag:$0x2] =	stream.indirect_vreg.gather [hbm4b:s2+s3], $0x80, v4, vm0, $0xb8;
	[tilespmem:$0x12600] =	vst v63  }
0x74: {  	s9 =	simm.s32 $0xC0;
	s10 =	simm.s32 $0x0  }
0x75: {  	[tilespmem:s22], [sflag:$0x2] =	stream.indirect_vreg.gather [hbm4b:s2+s3], $0x80, v3, vm0, $0xb8;
	[tilespmem:$0x12600] =	vst v63  }
.LBB2_2:
0x76: {  	p0 =	seq.s32 s10, $0x0  }
0x77: {  	s11 =	simm.s32 @!p0 $0x7  }
0x78: {  	_ =	swait.ge @!p0 [sflag:s11], $0x4000  }
0x79: {  	[sflag:s11] =	ssyncset.done @!p0 $0x0  }
0x7a: {  	[sflag:s11] =	ssyncadd.s32 @!p0 $0xFFFFC000  }
0x7b: {  	v3 =	vld [tilespmem:s9+$0xFFFFFFC0];
	_ =	sdelay $0x4  }
0x7c: {  	v4 =	vshll.u32 v3, $0x1  }
0x7d: {  	v3 =	vand.u32 $0x7, v3;
	v4 =	vand.u32 $0xFFFFFFF0, v4  }
0x7e: {  	v3 =	vor.u32 v3, v4  }
0x7f: {  	v4 =	vperm.xlane v3, v0;
	_ =	sdelay $0x1  }
0x80: {  	v3 =	vperm.xlane v3, v2;
	v4 =	vadd.s32 v1, v4;
	_ =	sdelay $0x1  }
0x81: {  	v3 =	vadd.s32 v1, v3;
	_ =	sdelay $0x2  }
0x82: {  	[tilespmem:s23], [sflag:$0x3] =	stream.indirect_vreg.gather [hbm4b:s2+s3], $0x80, v4, vm0, $0xb8;
	[tilespmem:$0x12600] =	vst v63  }
0x83: {  	s12 =	rddreg [dreg:$0x8]  }
0x84: {  	[tilespmem:s12], [sflag:$0x3] =	stream.indirect_vreg.gather [hbm4b:s2+s3], $0x80, v3, vm0, $0xb8;
	[tilespmem:$0x12600] =	vst v63  }
0x85: {  	v3 =	vld [tilespmem:s9+$0xFFFFFFD0];
	_ =	sdelay $0x4  }
0x86: {  	v57 =	vshll.u32 v3, $0x1  }
0x87: {  	v3 =	vand.u32 $0x7, v3;
	v4 =	vand.u32 $0xFFFFFFF0, v57  }
0x88: {  	v3 =	vor.u32 v3, v4  }
0x89: {  	v4 =	vperm.xlane v3, v0;
	_ =	sdelay $0x1  }
0x8a: {  	v3 =	vperm.xlane v3, v2;
	v4 =	vadd.s32 v1, v4;
	_ =	sdelay $0x1  }
0x8b: {  	v3 =	vadd.s32 v1, v3;
	_ =	sdelay $0x1  }
0x8c: {  	s11 =	rddreg [dreg:$0x9]  }
0x8d: {  	[tilespmem:s11], [sflag:$0x3] =	stream.indirect_vreg.gather [hbm4b:s2+s3], $0x80, v4, vm0, $0xb8;
	[tilespmem:$0x12600] =	vst v63  }
0x8e: {  	s12 =	rddreg [dreg:$0xa]  }
0x8f: {  	[tilespmem:s12], [sflag:$0x3] =	stream.indirect_vreg.gather [hbm4b:s2+s3], $0x80, v3, vm0, $0xb8;
	[tilespmem:$0x12600] =	vst v63  }
0x90: {  	v3 =	vld [tilespmem:s9+$0xFFFFFFE0];
	_ =	sdelay $0x4  }
0x91: {  	v58 =	vshll.u32 v3, $0x1  }
0x92: {  	v3 =	vand.u32 $0x7, v3;
	v4 =	vand.u32 $0xFFFFFFF0, v58  }
0x93: {  	v3 =	vor.u32 v3, v4  }
0x94: {  	v4 =	vperm.xlane v3, v0;
	_ =	sdelay $0x1  }
0x95: {  	v3 =	vperm.xlane v3, v2;
	v4 =	vadd.s32 v1, v4;
	_ =	sdelay $0x1  }
0x96: {  	v3 =	vadd.s32 v1, v3;
	_ =	sdelay $0x1  }
0x97: {  	s11 =	rddreg [dreg:$0xb]  }
0x98: {  	[tilespmem:s11], [sflag:$0x3] =	stream.indirect_vreg.gather [hbm4b:s2+s3], $0x80, v4, vm0, $0xb8;
	[tilespmem:$0x12600] =	vst v63  }
0x99: {  	s12 =	rddreg [dreg:$0xc]  }
0x9a: {  	[tilespmem:s12], [sflag:$0x3] =	stream.indirect_vreg.gather [hbm4b:s2+s3], $0x80, v3, vm0, $0xb8;
	[tilespmem:$0x12600] =	vst v63  }
0x9b: {  	v3 =	vld [tilespmem:s9+$0xFFFFFFF0];
	_ =	sdelay $0x4  }
0x9c: {  	v59 =	vshll.u32 v3, $0x1  }
0x9d: {  	v3 =	vand.u32 $0x7, v3;
	v4 =	vand.u32 $0xFFFFFFF0, v59  }
0x9e: {  	v3 =	vor.u32 v3, v4  }
0x9f: {  	v4 =	vperm.xlane v3, v0;
	_ =	sdelay $0x1  }
0xa0: {  	v3 =	vperm.xlane v3, v2;
	v4 =	vadd.s32 v1, v4;
	_ =	sdelay $0x1  }
0xa1: {  	v3 =	vadd.s32 v1, v3;
	_ =	sdelay $0x1  }
0xa2: {  	s11 =	rddreg [dreg:$0xd]  }
0xa3: {  	[tilespmem:s11], [sflag:$0x3] =	stream.indirect_vreg.gather [hbm4b:s2+s3], $0x80, v4, vm0, $0xb8;
	[tilespmem:$0x12600] =	vst v63  }
0xa4: {  	s12 =	rddreg [dreg:$0xe]  }
0xa5: {  	[tilespmem:s12], [sflag:$0x3] =	stream.indirect_vreg.gather [hbm4b:s2+s3], $0x80, v3, vm0, $0xb8;
	[tilespmem:$0x12600] =	vst v63  }
0xa6: {  	_ =	swait.ge [sflag:s24], $0x4000  }
0xa7: {  	s12 =	rddreg [dreg:$0x6];
	[sflag:s24] =	ssyncset.done $0x0  }
0xa8: {  	[sflag:s24] =	ssyncadd.s32 $0xFFFFC000;
	s11 =	sadd.s32 s10, s12  }
0xa9: {  	[hbm4b:s11+s3] =	stream.linear.scatter [tilespmem:s7], [sflag:$0x5], $0x4000, $0x38;
	[tilespmem:$0x12600] =	vst v63  }
0xaa: {  	s11 =	simm.s32 @!p0 $0x8  }
0xab: {  	_ =	swait.ge @!p0 [sflag:s11], $0x4000  }
0xac: {  	[sflag:s11] =	ssyncset.done @!p0 $0x0  }
0xad: {  	[sflag:s11] =	ssyncadd.s32 @!p0 $0xFFFFC000  }
0xae: {  	v3 =	vld [tilespmem:s9+$0x0];
	_ =	sdelay $0x4  }
0xaf: {  	v60 =	vshll.u32 v3, $0x1  }
0xb0: {  	v3 =	vand.u32 $0x7, v3;
	v4 =	vand.u32 $0xFFFFFFF0, v60  }
0xb1: {  	v3 =	vor.u32 v3, v4  }
0xb2: {  	v4 =	vperm.xlane v3, v0;
	_ =	sdelay $0x1  }
0xb3: {  	v3 =	vperm.xlane v3, v2;
	v4 =	vadd.s32 v1, v4;
	_ =	sdelay $0x1  }
0xb4: {  	v3 =	vadd.s32 v1, v3;
	_ =	sdelay $0x2  }
0xb5: {  	[tilespmem:s25], [sflag:$0x4] =	stream.indirect_vreg.gather [hbm4b:s2+s3], $0x80, v4, vm0, $0xb8;
	[tilespmem:$0x12600] =	vst v63  }
0xb6: {  	s12 =	rddreg [dreg:$0xf]  }
0xb7: {  	[tilespmem:s12], [sflag:$0x4] =	stream.indirect_vreg.gather [hbm4b:s2+s3], $0x80, v3, vm0, $0xb8;
	[tilespmem:$0x12600] =	vst v63  }
0xb8: {  	v3 =	vld [tilespmem:s9+$0x10];
	_ =	sdelay $0x4  }
0xb9: {  	v61 =	vshll.u32 v3, $0x1  }
0xba: {  	v3 =	vand.u32 $0x7, v3;
	v4 =	vand.u32 $0xFFFFFFF0, v61  }
0xbb: {  	v3 =	vor.u32 v3, v4  }
0xbc: {  	v4 =	vperm.xlane v3, v0;
	_ =	sdelay $0x1  }
0xbd: {  	v3 =	vperm.xlane v3, v2;
	v4 =	vadd.s32 v1, v4;
	_ =	sdelay $0x1  }
0xbe: {  	v3 =	vadd.s32 v1, v3;
	_ =	sdelay $0x1  }
0xbf: {  	s11 =	rddreg [dreg:$0x10]  }
0xc0: {  	[tilespmem:s11], [sflag:$0x4] =	stream.indirect_vreg.gather [hbm4b:s2+s3], $0x80, v4, vm0, $0xb8;
	[tilespmem:$0x12600] =	vst v63  }
0xc1: {  	s12 =	rddreg [dreg:$0x11]  }
0xc2: {  	[tilespmem:s12], [sflag:$0x4] =	stream.indirect_vreg.gather [hbm4b:s2+s3], $0x80, v3, vm0, $0xb8;
	[tilespmem:$0x12600] =	vst v63  }
0xc3: {  	v3 =	vld [tilespmem:s9+$0x20];
	_ =	sdelay $0x4  }
0xc4: {  	v62 =	vshll.u32 v3, $0x1  }
0xc5: {  	v3 =	vand.u32 $0x7, v3;
	v4 =	vand.u32 $0xFFFFFFF0, v62  }
0xc6: {  	v3 =	vor.u32 v3, v4  }
0xc7: {  	v4 =	vperm.xlane v3, v0;
	_ =	sdelay $0x1  }
0xc8: {  	v3 =	vperm.xlane v3, v2;
	v4 =	vadd.s32 v1, v4;
	_ =	sdelay $0x1  }
0xc9: {  	v3 =	vadd.s32 v1, v3;
	_ =	sdelay $0x1  }
0xca: {  	s11 =	rddreg [dreg:$0x12]  }
0xcb: {  	[tilespmem:s11], [sflag:$0x4] =	stream.indirect_vreg.gather [hbm4b:s2+s3], $0x80, v4, vm0, $0xb8;
	[tilespmem:$0x12600] =	vst v63  }
0xcc: {  	s12 =	rddreg [dreg:$0x13]  }
0xcd: {  	[tilespmem:s12], [sflag:$0x4] =	stream.indirect_vreg.gather [hbm4b:s2+s3], $0x80, v3, vm0, $0xb8;
	[tilespmem:$0x12600] =	vst v63  }
0xce: {  	v3 =	vld [tilespmem:s9+$0x30];
	_ =	sdelay $0x4  }
0xcf: {  	v63 =	vshll.u32 v3, $0x1  }
0xd0: {  	v3 =	vand.u32 $0x7, v3;
	v4 =	vand.u32 $0xFFFFFFF0, v63  }
0xd1: {  	v3 =	vor.u32 v3, v4  }
0xd2: {  	v4 =	vperm.xlane v3, v0;
	_ =	sdelay $0x1  }
0xd3: {  	v3 =	vperm.xlane v3, v2;
	v4 =	vadd.s32 v1, v4;
	_ =	sdelay $0x1  }
0xd4: {  	v3 =	vadd.s32 v1, v3;
	_ =	sdelay $0x1  }
0xd5: {  	s11 =	rddreg [dreg:$0x14]  }
0xd6: {  	[tilespmem:s11], [sflag:$0x4] =	stream.indirect_vreg.gather [hbm4b:s2+s3], $0x80, v4, vm0, $0xb8;
	[tilespmem:$0x12600] =	vst v63  }
0xd7: {  	s12 =	rddreg [dreg:$0x15]  }
0xd8: {  	[tilespmem:s12], [sflag:$0x4] =	stream.indirect_vreg.gather [hbm4b:s2+s3], $0x80, v3, vm0, $0xb8;
	[tilespmem:$0x12600] =	vst v63  }
0xd9: {  	_ =	swait.ge [sflag:s26], $0x4000  }
0xda: {  	s12 =	rddreg [dreg:$0x7];
	[sflag:s26] =	ssyncset.done $0x0  }
0xdb: {  	[sflag:s26] =	ssyncadd.s32 $0xFFFFC000;
	s11 =	sadd.s32 s10, s12  }
0xdc: {  	[hbm4b:s11+s3] =	stream.linear.scatter [tilespmem:s15], [sflag:$0x6], $0x4000, $0x38;
	[tilespmem:$0x12600] =	vst v63  }
0xdd: {  	_ =	swait.ge [sflag:s28], $0x4000  }
0xde: {  	[sflag:s28] =	ssyncset.done $0x0  }
0xdf: {  	p0 =	seq.s32 s10, $0x4A000;
	[sflag:s28] =	ssyncadd.s32 $0xFFFFC000  }
0xe0: {  	v3 =	vld @!p0 [tilespmem:s9+$0x40];
	_ =	sdelay $0x4  }
0xe1: {  	v4 =	vshll.u32 @!p0 v3, $0x1  }
0xe2: {  	v5 =	vlaneseq.u32 @!p0;
	v3 =	vand.u32 @!p0 $0x7, v3;
	v4 =	vand.u32 @!p0 $0xFFFFFFF0, v4  }
0xe3: {  	v6 =	vshrl.u32 @!p0 v5, $0x3;
	v3 =	vor.u32 @!p0 v3, v4;
	v4 =	vand.u32 @!p0 $0x7, v5  }
0xe4: {  	v6 =	vmul.u32 @!p0 $0x8, v6;
	v7 =	vperm.xlane @!p0 v3, v4  }
0xe5: {  	v5 =	vor.u32 @!p0 $0x8, v5  }
0xe6: {  	v3 =	vperm.xlane @!p0 v3, v5;
	v7 =	vadd.s32 @!p0 v6, v7;
	_ =	sdelay $0x1  }
0xe7: {  	v3 =	vadd.s32 @!p0 v6, v3;
	_ =	sdelay $0x1  }
0xe8: {  	vm1 =	vmmov @!p0 $0xffff;
	s12 =	simm.s32 @!p0 $0x2600;
	s11 =	simm.s32 @!p0 $0x0  }
0xe9: {  	[tilespmem:s12], [sflag:$0x1] =	stream.indirect_vreg.gather @!p0 [hbm4b:s2+s11], $0x80, v7, vm1, $0xb8;
	[tilespmem:$0x12600] =	vst v63  }
0xea: {  	s12 =	simm.s32 @!p0 $0x2E00  }
0xeb: {  	[tilespmem:s12], [sflag:$0x1] =	stream.indirect_vreg.gather @!p0 [hbm4b:s2+s11], $0x80, v3, vm1, $0xb8;
	[tilespmem:$0x12600] =	vst v63  }
0xec: {  	v3 =	vld @!p0 [tilespmem:s9+$0x50];
	_ =	sdelay $0x4  }
0xed: {  	v7 =	vshll.u32 @!p0 v3, $0x1  }
0xee: {  	v3 =	vand.u32 @!p0 $0x7, v3;
	v7 =	vand.u32 @!p0 $0xFFFFFFF0, v7  }
0xef: {  	v3 =	vor.u32 @!p0 v3, v7  }
0xf0: {  	v7 =	vperm.xlane @!p0 v3, v4;
	_ =	sdelay $0x1  }
0xf1: {  	v3 =	vperm.xlane @!p0 v3, v5;
	v7 =	vadd.s32 @!p0 v6, v7;
	_ =	sdelay $0x1  }
0xf2: {  	v3 =	vadd.s32 @!p0 v6, v3;
	_ =	sdelay $0x1  }
0xf3: {  	s12 =	simm.s32 @!p0 $0x3600  }
0xf4: {  	[tilespmem:s12], [sflag:$0x1] =	stream.indirect_vreg.gather @!p0 [hbm4b:s2+s11], $0x80, v7, vm1, $0xb8;
	[tilespmem:$0x12600] =	vst v63  }
0xf5: {  	s12 =	simm.s32 @!p0 $0x3E00  }
0xf6: {  	[tilespmem:s12], [sflag:$0x1] =	stream.indirect_vreg.gather @!p0 [hbm4b:s2+s11], $0x80, v3, vm1, $0xb8;
	[tilespmem:$0x12600] =	vst v63  }
0xf7: {  	v3 =	vld @!p0 [tilespmem:s9+$0x60];
	_ =	sdelay $0x4  }
0xf8: {  	v7 =	vshll.u32 @!p0 v3, $0x1  }
0xf9: {  	v3 =	vand.u32 @!p0 $0x7, v3;
	v7 =	vand.u32 @!p0 $0xFFFFFFF0, v7  }
0xfa: {  	v3 =	vor.u32 @!p0 v3, v7  }
0xfb: {  	v7 =	vperm.xlane @!p0 v3, v4;
	_ =	sdelay $0x1  }
0xfc: {  	v3 =	vperm.xlane @!p0 v3, v5;
	v7 =	vadd.s32 @!p0 v6, v7;
	_ =	sdelay $0x1  }
0xfd: {  	v3 =	vadd.s32 @!p0 v6, v3;
	_ =	sdelay $0x1  }
0xfe: {  	s12 =	simm.s32 @!p0 $0x4600  }
0xff: {  	[tilespmem:s12], [sflag:$0x1] =	stream.indirect_vreg.gather @!p0 [hbm4b:s2+s11], $0x80, v7, vm1, $0xb8;
	[tilespmem:$0x12600] =	vst v63  }
0x100: {  	s12 =	simm.s32 @!p0 $0x4E00  }
0x101: {  	[tilespmem:s12], [sflag:$0x1] =	stream.indirect_vreg.gather @!p0 [hbm4b:s2+s11], $0x80, v3, vm1, $0xb8;
	[tilespmem:$0x12600] =	vst v63  }
0x102: {  	v3 =	vld @!p0 [tilespmem:s9+$0x70];
	_ =	sdelay $0x4  }
0x103: {  	v7 =	vshll.u32 @!p0 v3, $0x1  }
0x104: {  	v3 =	vand.u32 @!p0 $0x7, v3;
	v7 =	vand.u32 @!p0 $0xFFFFFFF0, v7  }
0x105: {  	v3 =	vor.u32 @!p0 v3, v7  }
0x106: {  	v7 =	vperm.xlane @!p0 v3, v4;
	_ =	sdelay $0x1  }
0x107: {  	v3 =	vperm.xlane @!p0 v3, v5;
	v7 =	vadd.s32 @!p0 v6, v7;
	_ =	sdelay $0x1  }
0x108: {  	v3 =	vadd.s32 @!p0 v6, v3;
	_ =	sdelay $0x1  }
0x109: {  	s12 =	simm.s32 @!p0 $0x5600  }
0x10a: {  	[tilespmem:s12], [sflag:$0x1] =	stream.indirect_vreg.gather @!p0 [hbm4b:s2+s11], $0x80, v7, vm1, $0xb8;
	[tilespmem:$0x12600] =	vst v63  }
0x10b: {  	s12 =	simm.s32 @!p0 $0x5E00  }
0x10c: {  	[tilespmem:s12], [sflag:$0x1] =	stream.indirect_vreg.gather @!p0 [hbm4b:s2+s11], $0x80, v3, vm1, $0xb8;
	[tilespmem:$0x12600] =	vst v63  }
0x10d: {  	_ =	swait.ge [sflag:s29], $0x4000  }
0x10e: {  	s12 =	rddreg [dreg:$0x4];
	[sflag:s29] =	ssyncset.done $0x0  }
0x10f: {  	[sflag:s29] =	ssyncadd.s32 $0xFFFFC000;
	s12 =	sadd.s32 s10, s12  }
0x110: {  	[hbm4b:s12+s3] =	stream.linear.scatter [tilespmem:s23], [sflag:$0x7], $0x4000, $0x38;
	[tilespmem:$0x12600] =	vst v63  }
0x111: {  	_ =	swait.ge [sflag:s30], $0x4000  }
0x112: {  	[sflag:s30] =	ssyncset.done $0x0  }
0x113: {  	[sflag:s30] =	ssyncadd.s32 $0xFFFFC000  }
0x114: {  	v3 =	vld @!p0 [tilespmem:s9+$0x80];
	_ =	sdelay $0x4  }
0x115: {  	v7 =	vshll.u32 @!p0 v3, $0x1  }
0x116: {  	v3 =	vand.u32 @!p0 $0x7, v3;
	v7 =	vand.u32 @!p0 $0xFFFFFFF0, v7  }
0x117: {  	v3 =	vor.u32 @!p0 v3, v7  }
0x118: {  	v7 =	vperm.xlane @!p0 v3, v4;
	_ =	sdelay $0x1  }
0x119: {  	v3 =	vperm.xlane @!p0 v3, v5;
	v7 =	vadd.s32 @!p0 v6, v7;
	_ =	sdelay $0x1  }
0x11a: {  	v3 =	vadd.s32 @!p0 v6, v3;
	_ =	sdelay $0x1  }
0x11b: {  	s12 =	simm.s32 @!p0 $0x6600  }
0x11c: {  	[tilespmem:s12], [sflag:$0x2] =	stream.indirect_vreg.gather @!p0 [hbm4b:s2+s11], $0x80, v7, vm1, $0xb8;
	[tilespmem:$0x12600] =	vst v63  }
0x11d: {  	s12 =	simm.s32 @!p0 $0x6E00  }
0x11e: {  	[tilespmem:s12], [sflag:$0x2] =	stream.indirect_vreg.gather @!p0 [hbm4b:s2+s11], $0x80, v3, vm1, $0xb8;
	[tilespmem:$0x12600] =	vst v63  }
0x11f: {  	v3 =	vld @!p0 [tilespmem:s9+$0x90];
	_ =	sdelay $0x4  }
0x120: {  	v7 =	vshll.u32 @!p0 v3, $0x1  }
0x121: {  	v3 =	vand.u32 @!p0 $0x7, v3;
	v7 =	vand.u32 @!p0 $0xFFFFFFF0, v7  }
0x122: {  	v3 =	vor.u32 @!p0 v3, v7  }
0x123: {  	v7 =	vperm.xlane @!p0 v3, v4;
	_ =	sdelay $0x1  }
0x124: {  	v3 =	vperm.xlane @!p0 v3, v5;
	v7 =	vadd.s32 @!p0 v6, v7;
	_ =	sdelay $0x1  }
0x125: {  	v3 =	vadd.s32 @!p0 v6, v3;
	_ =	sdelay $0x1  }
0x126: {  	s12 =	simm.s32 @!p0 $0x7600  }
0x127: {  	[tilespmem:s12], [sflag:$0x2] =	stream.indirect_vreg.gather @!p0 [hbm4b:s2+s11], $0x80, v7, vm1, $0xb8;
	[tilespmem:$0x12600] =	vst v63  }
0x128: {  	s12 =	simm.s32 @!p0 $0x7E00  }
0x129: {  	[tilespmem:s12], [sflag:$0x2] =	stream.indirect_vreg.gather @!p0 [hbm4b:s2+s11], $0x80, v3, vm1, $0xb8;
	[tilespmem:$0x12600] =	vst v63  }
0x12a: {  	v3 =	vld @!p0 [tilespmem:s9+$0xA0];
	_ =	sdelay $0x4  }
0x12b: {  	v7 =	vshll.u32 @!p0 v3, $0x1  }
0x12c: {  	v3 =	vand.u32 @!p0 $0x7, v3;
	v7 =	vand.u32 @!p0 $0xFFFFFFF0, v7  }
0x12d: {  	v3 =	vor.u32 @!p0 v3, v7  }
0x12e: {  	v7 =	vperm.xlane @!p0 v3, v4;
	_ =	sdelay $0x1  }
0x12f: {  	v3 =	vperm.xlane @!p0 v3, v5;
	v7 =	vadd.s32 @!p0 v6, v7;
	_ =	sdelay $0x1  }
0x130: {  	v3 =	vadd.s32 @!p0 v6, v3;
	_ =	sdelay $0x1  }
0x131: {  	s12 =	simm.s32 @!p0 $0x8600  }
0x132: {  	[tilespmem:s12], [sflag:$0x2] =	stream.indirect_vreg.gather @!p0 [hbm4b:s2+s11], $0x80, v7, vm1, $0xb8;
	[tilespmem:$0x12600] =	vst v63  }
0x133: {  	s12 =	simm.s32 @!p0 $0x8E00  }
0x134: {  	[tilespmem:s12], [sflag:$0x2] =	stream.indirect_vreg.gather @!p0 [hbm4b:s2+s11], $0x80, v3, vm1, $0xb8;
	[tilespmem:$0x12600] =	vst v63  }
0x135: {  	v3 =	vld @!p0 [tilespmem:s9+$0xB0];
	_ =	sdelay $0x4  }
0x136: {  	v7 =	vshll.u32 @!p0 v3, $0x1  }
0x137: {  	v3 =	vand.u32 @!p0 $0x7, v3;
	v7 =	vand.u32 @!p0 $0xFFFFFFF0, v7  }
0x138: {  	v3 =	vor.u32 @!p0 v3, v7  }
0x139: {  	v4 =	vperm.xlane @!p0 v3, v4;
	_ =	sdelay $0x1  }
0x13a: {  	v3 =	vperm.xlane @!p0 v3, v5;
	v4 =	vadd.s32 @!p0 v6, v4;
	_ =	sdelay $0x1  }
0x13b: {  	v3 =	vadd.s32 @!p0 v6, v3;
	_ =	sdelay $0x1  }
0x13c: {  	s12 =	simm.s32 @!p0 $0x9600  }
0x13d: {  	[tilespmem:s12], [sflag:$0x2] =	stream.indirect_vreg.gather @!p0 [hbm4b:s2+s11], $0x80, v4, vm1, $0xb8;
	[tilespmem:$0x12600] =	vst v63  }
0x13e: {  	s12 =	simm.s32 @!p0 $0x9E00  }
0x13f: {  	[tilespmem:s12], [sflag:$0x2] =	stream.indirect_vreg.gather @!p0 [hbm4b:s2+s11], $0x80, v3, vm1, $0xb8;
	[tilespmem:$0x12600] =	vst v63  }
0x140: {  	_ =	swait.ge [sflag:s31], $0x4000  }
0x141: {  	s12 =	rddreg [dreg:$0x5]  }
0x142: {  	s11 =	sadd.s32 s10, s12;
	s10 =	sadd.s32 $0x2000, s10  }
0x143: {  	p0 =	sne.s32 s10, $0x4C000  }
.Ltmp0:
0x144: {  	_ = 	snop;
	(pc) =	sbr.rel @p0 .LBB2_2-.Ltmp0, $4  }
0x145: {  	_ = 	snop  }
0x146: {  	[sflag:s31] =	ssyncset.done $0x0  }
0x147: {  	s9 =	sadd.s32 $0x100, s9;
	[sflag:s31] =	ssyncadd.s32 $0xFFFFC000  }
0x148: {  	[hbm4b:s11+s3] =	stream.linear.scatter [tilespmem:s25], [sflag:$0x8], $0x4000, $0x38;
	[tilespmem:$0x12600] =	vst v63  }
0x149: {  	s8 =	sadd.s32 $0x1, s8  }
0x14a: {  	_ =	swait.ge [sflag:s0], $0x4000;
	p0 =	sne.s32 s8, s5  }
.Ltmp1:
0x14b: {  	[sflag:s0] =	ssyncset.done $0x0;
	(pc) =	sbr.rel @p0 .LBB2_1-.Ltmp1, $4  }
0x14c: {  	[sflag:s0] =	ssyncadd.s32 $0xFFFFC000  }
0x14d: {  	_ =	swait.ge [sflag:s1], $0x4000  }
0x14e: {  	[sflag:s1] =	ssyncset.done $0x0  }
0x14f: {  	[sflag:s1] =	ssyncadd.s32 $0xFFFFC000  }
0x150: {  	_ =	sfence.sel $0x180000  }
0x151: {  	[bflag:$0x0] =	sbarrier.arrive $0xFFFF  }
0x152: {  	_ =	strace $0x90000047  }
0x153: {  	s0 =	stileid.u32;
	[bflag:$0x2] =	sbarrier.arrive $0xFFFF  }
0x154: {  	p0 =	sne.s32 s0, $0x0;
	s0 =	rddreg [dreg:$0x3]  }
0x155: {  	s0 =	sadd.s32 @!p0 $0x100000, s0  }
0x156: {  	[sflag:s0] =	ssyncadd.tile.s32 @!p0 $0x1;
	_ =	shalt  }
.Lfunc_end2:
_tile_overlayer_lowered:
.L_overlay_start_2:
0x157: {  	(tag) =	ssettag $0x2  }
0x158: {  	s0 =	rddreg [dreg:$0x0];
	s2 =	stileid.u32  }
0x159: {  	s1 =	rddreg [dreg:$0x1];
	p0 =	sne.s32 s2, $0x0  }
0x15a: {  	s3 =	rddreg [dreg:$0x2];
	[bflag:$0x3] =	sbarrier.arrive $0xFFFF;
	s2 =	simm.s32 @!p0 $0x1C09  }
0x15b: {  	[timem:s3], [sflag:s2] =	dma.local @!p0 [hbm:s0], s1  }
0x15c: {  	s0 =	simm.s32 @!p0 $0x9  }
0x15d: {  	_ =	swait.ge @!p0 [sflag:s0], s1  }
0x15e: {  	s1 =	ssub.s32 @!p0 $0x0, s1;
	[sflag:s0] =	ssyncset.done @!p0 $0x0  }
0x15f: {  	[sflag:s0] =	ssyncadd.s32 @!p0 s1  }
0x160: {  	[bflag:$0x3] =	sbarrier.arrive $0xFFFF  }
0x161: {  	_ =	shalt  }

</sc_bundles>
